<compile_context>
chip_gen: v7x
topology: tpu7x:2x2x1
jax: 0.10.2.dev20260603
libtpu: 0.0.44.dev20260713+nightly
codegen_flags: <defaults>
</compile_context>

<pallas_src>
import functools

import jax
import jax.numpy as jnp
from jax import lax
from jax.experimental import pallas as pl
from jax.experimental.pallas import tpu as pltpu
from jax.experimental.pallas import tpu_sc as plsc

X_MIN = -100.0
X_MAX = 100.0
N_TAB = 50000
STEP = (X_MAX - X_MIN) / (N_TAB - 1)
INV_STEP = 1.0 / STEP

TOTAL = 2 * 4096 * 4096
NUM_CORES = 2
NUM_SUBCORES = 16
NW = NUM_CORES * NUM_SUBCORES
PER_W = TOTAL // NW
CHUNK = 8192
N_CHUNKS = PER_W // CHUNK
VEC = 16

_mesh = plsc.VectorSubcoreMesh(core_axis_name="c", subcore_axis_name="s")


@functools.partial(
    pl.kernel,
    out_type=jax.ShapeDtypeStruct((TOTAL,), jnp.float32),
    mesh=_mesh,
    compiler_params=pltpu.CompilerParams(needs_layout_passes=False),
    scratch_types=[
        pltpu.VMEM((N_TAB + VEC,), jnp.float32),
        pltpu.VMEM((CHUNK,), jnp.float32),
        pltpu.VMEM((CHUNK,), jnp.float32),
        pltpu.VMEM((CHUNK,), jnp.float32),
        pltpu.VMEM((CHUNK,), jnp.float32),
        pltpu.SemaphoreType.DMA,
        pltpu.SemaphoreType.DMA,
        pltpu.SemaphoreType.DMA,
        pltpu.SemaphoreType.DMA,
    ],
)
def _gelu_sc(x_hbm, yt_hbm, out_hbm,
             yt_v, x_v0, x_v1, o_v0, o_v1, is0, is1, os0, os1):
    x_bufs = (x_v0, x_v1)
    o_bufs = (o_v0, o_v1)
    in_sems = (is0, is1)
    out_sems = (os0, os1)

    wid = lax.axis_index("s") * NUM_CORES + lax.axis_index("c")
    base = wid * PER_W
    pltpu.sync_copy(yt_hbm, yt_v.at[pl.ds(0, N_TAB)])
    yt_v[pl.ds(N_TAB, VEC)] = plsc.load_gather(
        yt_v, [jnp.full((VEC,), N_TAB - 1, jnp.int32)])

    pltpu.async_copy(x_hbm.at[pl.ds(base, CHUNK)], x_bufs[0], in_sems[0])

    def pair_body(jj, _):
        for b in range(2):
            j = jj * 2 + b

            @pl.when(j + 1 < N_CHUNKS)
            def _():
                off = base + (j + 1) * CHUNK
                pltpu.async_copy(
                    x_hbm.at[pl.ds(off, CHUNK)], x_bufs[1 - b],
                    in_sems[1 - b])

            pltpu.make_async_copy(
                x_hbm.at[pl.ds(base, CHUNK)], x_bufs[b], in_sems[b]).wait()

            @pl.when(j >= 2)
            def _():
                pltpu.make_async_copy(
                    o_bufs[b], out_hbm.at[pl.ds(base, CHUNK)],
                    out_sems[b]).wait()

            x_v = x_bufs[b]
            o_v = o_bufs[b]

            @plsc.parallel_loop(0, CHUNK // VEC, unroll=16)
            def _(i):
                x = x_v[pl.ds(i * VEC, VEC)]
                xc = jnp.minimum(jnp.maximum(x, X_MIN), X_MAX)
                idx_f = (xc - X_MIN) * INV_STEP
                idx = idx_f.astype(jnp.int32)
                frac = idx_f - idx.astype(jnp.float32)
                y0 = plsc.load_gather(yt_v, [idx])
                y1 = plsc.load_gather(yt_v, [idx + 1])
                approx = y0 + frac * (y1 - y0)
                o_v[pl.ds(i * VEC, VEC)] = jnp.where(x > X_MAX, x, approx)

            pltpu.async_copy(
                o_v, out_hbm.at[pl.ds(base + j * CHUNK, CHUNK)], out_sems[b])
        return 0

    lax.fori_loop(0, N_CHUNKS // 2, pair_body, 0)

    for b in range(2):
        pltpu.make_async_copy(
            o_bufs[b], out_hbm.at[pl.ds(base, CHUNK)], out_sems[b]).wait()


def kernel(x, y_table, slope):
    del slope
    out = _gelu_sc(x.reshape(-1), y_table)
    return out.reshape(x.shape)

# --- scband reference (transcript-rebuilt; emitter-appended) ---
"""Pipeline reference for scband-cached-gelu-8847632630418 (READ-ONLY COPY).

The authoritative reference and input builder live on the scoring server;
editing this copy changes nothing except your own understanding.
"""

import jax, jax.numpy as jnp
import numpy as np

X_MIN = -100.0
X_MAX = 100.0
N = 50000


def _build_tables():
    x_table = jnp.linspace(X_MIN, X_MAX, N, dtype=jnp.float32)
    y_table = 0.5 * x_table * (1.0 + jax.scipy.special.erf(x_table / jnp.sqrt(jnp.float32(2.0))))
    slope = jnp.diff(y_table, append=y_table[-1:])
    return y_table, slope


def setup_inputs(seed: int = 0) -> dict:
    key = jax.random.key(seed)
    x = jax.random.normal(key, (2, 4096, 4096), dtype=jnp.float32)
    y_table, slope = _build_tables()
    return {"x": x, "y_table": y_table, "slope": slope}


def reference(x, y_table, slope):
    step = (X_MAX - X_MIN) / (N - 1)
    inv_step = 1.0 / step
    x_clamped = jnp.clip(x, X_MIN, X_MAX)
    idx_f = (x_clamped - X_MIN) * inv_step
    idx = jnp.clip(idx_f.astype(jnp.int32), 0, N - 1)
    frac = idx_f - idx.astype(jnp.float32)
    y_val = jnp.take(y_table, idx)
    m_val = jnp.take(slope, idx)
    approx = y_val + frac * m_val
    gelu_exact = 0.5 * x * (1.0 + jax.scipy.special.erf(x / jnp.sqrt(jnp.float32(2.0))))
    return jnp.where((x < X_MIN) | (x > X_MAX), gelu_exact, approx)

if __name__ == "__main__":
    import jax
    _d = setup_inputs()
    print(jax.jit(kernel)(*tuple(_d.values())))

</pallas_src>

<mosaic_0001>
#map = affine_map<(d0, d1) -> (0)>
module attributes {stable_mosaic.version = 14 : i64} {
  func.func @_gelu_sc(%arg0: i32, %arg1: i32, %arg2: memref<33554432xf32, #tpu.memory_space<hbm>>, %arg3: memref<50000xf32, #tpu.memory_space<hbm>>, %arg4: memref<33554432xf32, #tpu.memory_space<hbm>>, %arg5: memref<50016xf32, #tpu.memory_space<vmem>>, %arg6: memref<8192xf32, #tpu.memory_space<vmem>>, %arg7: memref<8192xf32, #tpu.memory_space<vmem>>, %arg8: memref<8192xf32, #tpu.memory_space<vmem>>, %arg9: memref<8192xf32, #tpu.memory_space<vmem>>, %arg10: memref<!tpu.dma_semaphore, #tpu.memory_space<semaphore_mem>>, %arg11: memref<!tpu.dma_semaphore, #tpu.memory_space<semaphore_mem>>, %arg12: memref<!tpu.dma_semaphore, #tpu.memory_space<semaphore_mem>>, %arg13: memref<!tpu.dma_semaphore, #tpu.memory_space<semaphore_mem>>) attributes {dimension_semantics = [#tpu.dimension_semantics<core_parallel>, #tpu.dimension_semantics<subcore_parallel>], iteration_bounds = array<i64: 2, 16>, scalar_prefetch = 0 : i64, scratch_operands = 9 : i64, tpu.core_type = #tpu.core_type<sc_vector_subcore>, window_params = [{transform_indices = #map}, {transform_indices = #map}, {transform_indices = #map}]} {
    %mul3A = arith.constant 2 : i32
    %mul3A_0 = arith.muli %arg1, %mul3A : i32
    %add3A = arith.addi %mul3A_0, %arg0 : i32
    %mul3A_1 = arith.constant 1048576 : i32
    %mul3A_2 = arith.muli %add3A, %mul3A_1 : i32
    "tpu.region"() ({
      %run_scoped3A = tpu.sem_alloc : memref<!tpu.dma_semaphore, #tpu.memory_space<semaphore_mem>>
      %dma_start3A_15 = arith.constant 0 : i32
      %dma_start3A_16 = tpu.memref_slice %arg5[%dma_start3A_15] : memref<50016xf32, #tpu.memory_space<vmem>> -> memref<50000xf32, #tpu.memory_space<vmem>>
      %dma_start3A_17 = arith.constant 0 : i32
      %dma_start3A_18 = tpu.memref_slice %arg5[%dma_start3A_17] : memref<50016xf32, #tpu.memory_space<vmem>> -> memref<50000xf32, #tpu.memory_space<vmem>>
      tpu.enqueue_dma source(%arg3 : memref<50000xf32, #tpu.memory_space<hbm>>) target(%dma_start3A_18 : memref<50000xf32, #tpu.memory_space<vmem>>) target_semaphore(%run_scoped3A : memref<!tpu.dma_semaphore, #tpu.memory_space<semaphore_mem>>)
      %dma_wait3A_19 = arith.constant 0 : i32
      %dma_wait3A_20 = tpu.memref_slice %arg5[%dma_wait3A_19] : memref<50016xf32, #tpu.memory_space<vmem>> -> memref<50000xf32, #tpu.memory_space<vmem>>
      %dma_wait3A_21 = arith.constant 0 : i32
      %dma_wait3A_22 = tpu.memref_slice %arg5[%dma_wait3A_21] : memref<50016xf32, #tpu.memory_space<vmem>> -> memref<50000xf32, #tpu.memory_space<vmem>>
      tpu.wait_dma2 semaphore(%run_scoped3A : memref<!tpu.dma_semaphore, #tpu.memory_space<semaphore_mem>>) src(%arg3 : memref<50000xf32, #tpu.memory_space<hbm>>) dst(%dma_wait3A_22 : memref<50000xf32, #tpu.memory_space<vmem>>)
      tpu.yield
    }) : () -> ()
    %broadcast_in_dim3A = arith.constant 49999 : i32
    %broadcast_in_dim3A_3 = vector.broadcast %broadcast_in_dim3A : i32 to vector<16xi32>
    %gather3A = tpu.vector_load_idx %arg5[%broadcast_in_dim3A_3] : memref<50016xf32, #tpu.memory_space<vmem>>[vector<16xi32>], vector<16xf32>,
    %swap3A = arith.constant 50000 : index
    %swap3A_4 = tpu.vector_load %arg5[%swap3A] {strides = array<i32>} : memref<50016xf32, #tpu.memory_space<vmem>>, vector<16xf32>,
    tpu.vector_store %arg5[%swap3A], %gather3A {strides = array<i32>} : memref<50016xf32, #tpu.memory_space<vmem>>, vector<16xf32>,
    %dma_start3A = tpu.memref_slice %arg2[%mul3A_2] : memref<33554432xf32, #tpu.memory_space<hbm>> -> memref<8192xf32, #tpu.memory_space<hbm>>
    %dma_start3A_5 = tpu.memref_slice %arg2[%mul3A_2] : memref<33554432xf32, #tpu.memory_space<hbm>> -> memref<8192xf32, #tpu.memory_space<hbm>>
    tpu.enqueue_dma source(%dma_start3A_5 : memref<8192xf32, #tpu.memory_space<hbm>>) target(%arg6 : memref<8192xf32, #tpu.memory_space<vmem>>) target_semaphore(%arg10 : memref<!tpu.dma_semaphore, #tpu.memory_space<semaphore_mem>>)
    %scan3A = arith.constant 0 : i32
    %scan3A_6 = arith.constant 0 : i32
    %scan3A_7 = arith.constant 64 : i32
    %scan3A_8 = arith.addi %scan3A_6, %scan3A_7 : i32
    %scan3A_9 = arith.constant 1 : i32
    %scan3A_10 = scf.for %scan3A_15 = %scan3A_6 to %scan3A_8 step %scan3A_9 iter_args(%scan3A_16 = %scan3A) -> (i32)  : i32 {
      %mul3A_17 = arith.constant 2 : i32
      %mul3A_18 = arith.muli %scan3A_15, %mul3A_17 : i32
      %add3A_19 = arith.constant 0 : i32
      %add3A_20 = arith.addi %mul3A_18, %add3A_19 : i32
      %add3A_21 = arith.constant 1 : i32
      %add3A_22 = arith.addi %add3A_20, %add3A_21 : i32
      %lt3A = arith.constant 128 : i32
      %lt3A_23 = arith.cmpi slt, %add3A_22, %lt3A : i32
      %convert_element_type3A = arith.extui %lt3A_23 : i1 to i32
      %cond3A = arith.constant 0 : i32
      %cond3A_24 = arith.cmpi ne, %convert_element_type3A, %cond3A : i32
      scf.if %cond3A_24 {
        %add3A_65 = arith.constant 1 : i32
        %add3A_66 = arith.addi %add3A_20, %add3A_65 : i32
        %mul3A_67 = arith.constant 8192 : i32
        %mul3A_68 = arith.muli %add3A_66, %mul3A_67 : i32
        %add3A_69 = arith.addi %mul3A_2, %mul3A_68 : i32
        %dma_start3A_70 = tpu.memref_slice %arg2[%add3A_69] : memref<33554432xf32, #tpu.memory_space<hbm>> -> memref<8192xf32, #tpu.memory_space<hbm>>
        %dma_start3A_71 = tpu.memref_slice %arg2[%add3A_69] : memref<33554432xf32, #tpu.memory_space<hbm>> -> memref<8192xf32, #tpu.memory_space<hbm>>
        tpu.enqueue_dma source(%dma_start3A_71 : memref<8192xf32, #tpu.memory_space<hbm>>) target(%arg7 : memref<8192xf32, #tpu.memory_space<vmem>>) target_semaphore(%arg11 : memref<!tpu.dma_semaphore, #tpu.memory_space<semaphore_mem>>)
      } else {
      }
      %dma_wait3A_25 = tpu.memref_slice %arg2[%mul3A_2] : memref<33554432xf32, #tpu.memory_space<hbm>> -> memref<8192xf32, #tpu.memory_space<hbm>>
      %dma_wait3A_26 = tpu.memref_slice %arg2[%mul3A_2] : memref<33554432xf32, #tpu.memory_space<hbm>> -> memref<8192xf32, #tpu.memory_space<hbm>>
      tpu.wait_dma2 semaphore(%arg10 : memref<!tpu.dma_semaphore, #tpu.memory_space<semaphore_mem>>) src(%dma_wait3A_26 : memref<8192xf32, #tpu.memory_space<hbm>>) dst(%arg6 : memref<8192xf32, #tpu.memory_space<vmem>>)
      %ge3A = arith.constant 2 : i32
      %ge3A_27 = arith.cmpi sge, %add3A_20, %ge3A : i32
      %convert_element_type3A_28 = arith.extui %ge3A_27 : i1 to i32
      %cond3A_29 = arith.constant 0 : i32
      %cond3A_30 = arith.cmpi ne, %convert_element_type3A_28, %cond3A_29 : i32
      scf.if %cond3A_30 {
        %dma_wait3A_65 = tpu.memref_slice %arg4[%mul3A_2] : memref<33554432xf32, #tpu.memory_space<hbm>> -> memref<8192xf32, #tpu.memory_space<hbm>>
        %dma_wait3A_66 = tpu.memref_slice %arg4[%mul3A_2] : memref<33554432xf32, #tpu.memory_space<hbm>> -> memref<8192xf32, #tpu.memory_space<hbm>>
        tpu.wait_dma2 semaphore(%arg12 : memref<!tpu.dma_semaphore, #tpu.memory_space<semaphore_mem>>) src(%arg8 : memref<8192xf32, #tpu.memory_space<vmem>>) dst(%dma_wait3A_66 : memref<8192xf32, #tpu.memory_space<hbm>>)
      } else {
      }
      %parallel_loop3A = arith.constant 0 : i32
      %parallel_loop3A_31 = arith.constant 512 : i32
      %parallel_loop3A_32 = arith.constant 1 : i32
      scf.for %parallel_loop3A_65 = %parallel_loop3A to %parallel_loop3A_31 step %parallel_loop3A_32  : i32 {
        %parallel_loop3A_66 = arith.constant 16 : i32
        %parallel_loop3A_67 = arith.muli %parallel_loop3A_65, %parallel_loop3A_66 : i32
        %parallel_loop3A_68 = arith.index_cast %parallel_loop3A_67 : i32 to index
        %parallel_loop3A_69 = tpu.vector_load %arg6[%parallel_loop3A_68] {strides = array<i32>} : memref<8192xf32, #tpu.memory_space<vmem>>, vector<16xf32>,
        %parallel_loop3A_70 = arith.constant -1.000000e+02 : f32
        %parallel_loop3A_71 = vector.broadcast %parallel_loop3A_70 : f32 to vector<16xf32>
        %parallel_loop3A_72 = arith.maximumf %parallel_loop3A_69, %parallel_loop3A_71 : vector<16xf32>
        %parallel_loop3A_73 = arith.constant 1.000000e+02 : f32
        %parallel_loop3A_74 = vector.broadcast %parallel_loop3A_73 : f32 to vector<16xf32>
        %parallel_loop3A_75 = arith.minimumf %parallel_loop3A_72, %parallel_loop3A_74 : vector<16xf32>
        %parallel_loop3A_76 = arith.constant -1.000000e+02 : f32
        %parallel_loop3A_77 = vector.broadcast %parallel_loop3A_76 : f32 to vector<16xf32>
        %parallel_loop3A_78 = arith.subf %parallel_loop3A_75, %parallel_loop3A_77 : vector<16xf32>
        %parallel_loop3A_79 = arith.constant 2.499950e+02 : f32
        %parallel_loop3A_80 = vector.broadcast %parallel_loop3A_79 : f32 to vector<16xf32>
        %parallel_loop3A_81 = arith.mulf %parallel_loop3A_78, %parallel_loop3A_80 : vector<16xf32>
        %parallel_loop3A_82 = arith.fptosi %parallel_loop3A_81 : vector<16xf32> to vector<16xi32>
        %parallel_loop3A_83 = arith.sitofp %parallel_loop3A_82 : vector<16xi32> to vector<16xf32>
        %parallel_loop3A_84 = arith.subf %parallel_loop3A_81, %parallel_loop3A_83 : vector<16xf32>
        %parallel_loop3A_85 = tpu.vector_load_idx %arg5[%parallel_loop3A_82] : memref<50016xf32, #tpu.memory_space<vmem>>[vector<16xi32>], vector<16xf32>,
        %parallel_loop3A_86 = arith.constant 1 : i32
        %parallel_loop3A_87 = vector.broadcast %parallel_loop3A_86 : i32 to vector<16xi32>
        %parallel_loop3A_88 = arith.addi %parallel_loop3A_82, %parallel_loop3A_87 : vector<16xi32>
        %parallel_loop3A_89 = tpu.vector_load_idx %arg5[%parallel_loop3A_88] : memref<50016xf32, #tpu.memory_space<vmem>>[vector<16xi32>], vector<16xf32>,
        %parallel_loop3A_90 = arith.subf %parallel_loop3A_89, %parallel_loop3A_85 : vector<16xf32>
        %parallel_loop3A_91 = arith.mulf %parallel_loop3A_84, %parallel_loop3A_90 : vector<16xf32>
        %parallel_loop3A_92 = arith.addf %parallel_loop3A_85, %parallel_loop3A_91 : vector<16xf32>
        %parallel_loop3A_93 = arith.constant 1.000000e+02 : f32
        %parallel_loop3A_94 = vector.broadcast %parallel_loop3A_93 : f32 to vector<16xf32>
        %parallel_loop3A_95 = arith.cmpf ogt, %parallel_loop3A_69, %parallel_loop3A_94 : vector<16xf32>
        %parallel_loop3A_96 = arith.select %parallel_loop3A_95, %parallel_loop3A_69, %parallel_loop3A_92 : vector<16xi1>, vector<16xf32>
        %parallel_loop3A_97 = arith.constant 16 : i32
        %parallel_loop3A_98 = arith.muli %parallel_loop3A_65, %parallel_loop3A_97 : i32
        %parallel_loop3A_99 = arith.index_cast %parallel_loop3A_98 : i32 to index
        %parallel_loop3A_100 = tpu.vector_load %arg8[%parallel_loop3A_99] {strides = array<i32>} : memref<8192xf32, #tpu.memory_space<vmem>>, vector<16xf32>,
        tpu.vector_store %arg8[%parallel_loop3A_99], %parallel_loop3A_96 {strides = array<i32>} : memref<8192xf32, #tpu.memory_space<vmem>>, vector<16xf32>,
      } {sc.loop_unroll_factor = 16 : i64, sc.parallel_access}
      %mul3A_33 = arith.constant 8192 : i32
      %mul3A_34 = arith.muli %add3A_20, %mul3A_33 : i32
      %add3A_35 = arith.addi %mul3A_2, %mul3A_34 : i32
      %dma_start3A_36 = tpu.memref_slice %arg4[%add3A_35] : memref<33554432xf32, #tpu.memory_space<hbm>> -> memref<8192xf32, #tpu.memory_space<hbm>>
      %dma_start3A_37 = tpu.memref_slice %arg4[%add3A_35] : memref<33554432xf32, #tpu.memory_space<hbm>> -> memref<8192xf32, #tpu.memory_space<hbm>>
      tpu.enqueue_dma source(%arg8 : memref<8192xf32, #tpu.memory_space<vmem>>) target(%dma_start3A_37 : memref<8192xf32, #tpu.memory_space<hbm>>) target_semaphore(%arg12 : memref<!tpu.dma_semaphore, #tpu.memory_space<semaphore_mem>>)
      %mul3A_38 = arith.constant 2 : i32
      %mul3A_39 = arith.muli %scan3A_15, %mul3A_38 : i32
      %add3A_40 = arith.constant 1 : i32
      %add3A_41 = arith.addi %mul3A_39, %add3A_40 : i32
      %add3A_42 = arith.constant 1 : i32
      %add3A_43 = arith.addi %add3A_41, %add3A_42 : i32
      %lt3A_44 = arith.constant 128 : i32
      %lt3A_45 = arith.cmpi slt, %add3A_43, %lt3A_44 : i32
      %convert_element_type3A_46 = arith.extui %lt3A_45 : i1 to i32
      %cond3A_47 = arith.constant 0 : i32
      %cond3A_48 = arith.cmpi ne, %convert_element_type3A_46, %cond3A_47 : i32
      scf.if %cond3A_48 {
        %add3A_65 = arith.constant 1 : i32
        %add3A_66 = arith.addi %add3A_41, %add3A_65 : i32
        %mul3A_67 = arith.constant 8192 : i32
        %mul3A_68 = arith.muli %add3A_66, %mul3A_67 : i32
        %add3A_69 = arith.addi %mul3A_2, %mul3A_68 : i32
        %dma_start3A_70 = tpu.memref_slice %arg2[%add3A_69] : memref<33554432xf32, #tpu.memory_space<hbm>> -> memref<8192xf32, #tpu.memory_space<hbm>>
        %dma_start3A_71 = tpu.memref_slice %arg2[%add3A_69] : memref<33554432xf32, #tpu.memory_space<hbm>> -> memref<8192xf32, #tpu.memory_space<hbm>>
        tpu.enqueue_dma source(%dma_start3A_71 : memref<8192xf32, #tpu.memory_space<hbm>>) target(%arg6 : memref<8192xf32, #tpu.memory_space<vmem>>) target_semaphore(%arg10 : memref<!tpu.dma_semaphore, #tpu.memory_space<semaphore_mem>>)
      } else {
      }
      %dma_wait3A_49 = tpu.memref_slice %arg2[%mul3A_2] : memref<33554432xf32, #tpu.memory_space<hbm>> -> memref<8192xf32, #tpu.memory_space<hbm>>
      %dma_wait3A_50 = tpu.memref_slice %arg2[%mul3A_2] : memref<33554432xf32, #tpu.memory_space<hbm>> -> memref<8192xf32, #tpu.memory_space<hbm>>
      tpu.wait_dma2 semaphore(%arg11 : memref<!tpu.dma_semaphore, #tpu.memory_space<semaphore_mem>>) src(%dma_wait3A_50 : memref<8192xf32, #tpu.memory_space<hbm>>) dst(%arg7 : memref<8192xf32, #tpu.memory_space<vmem>>)
      %ge3A_51 = arith.constant 2 : i32
      %ge3A_52 = arith.cmpi sge, %add3A_41, %ge3A_51 : i32
      %convert_element_type3A_53 = arith.extui %ge3A_52 : i1 to i32
      %cond3A_54 = arith.constant 0 : i32
      %cond3A_55 = arith.cmpi ne, %convert_element_type3A_53, %cond3A_54 : i32
      scf.if %cond3A_55 {
        %dma_wait3A_65 = tpu.memref_slice %arg4[%mul3A_2] : memref<33554432xf32, #tpu.memory_space<hbm>> -> memref<8192xf32, #tpu.memory_space<hbm>>
        %dma_wait3A_66 = tpu.memref_slice %arg4[%mul3A_2] : memref<33554432xf32, #tpu.memory_space<hbm>> -> memref<8192xf32, #tpu.memory_space<hbm>>
        tpu.wait_dma2 semaphore(%arg13 : memref<!tpu.dma_semaphore, #tpu.memory_space<semaphore_mem>>) src(%arg9 : memref<8192xf32, #tpu.memory_space<vmem>>) dst(%dma_wait3A_66 : memref<8192xf32, #tpu.memory_space<hbm>>)
      } else {
      }
      %parallel_loop3A_56 = arith.constant 0 : i32
      %parallel_loop3A_57 = arith.constant 512 : i32
      %parallel_loop3A_58 = arith.constant 1 : i32
      scf.for %parallel_loop3A_65 = %parallel_loop3A_56 to %parallel_loop3A_57 step %parallel_loop3A_58  : i32 {
        %parallel_loop3A_66 = arith.constant 16 : i32
        %parallel_loop3A_67 = arith.muli %parallel_loop3A_65, %parallel_loop3A_66 : i32
        %parallel_loop3A_68 = arith.index_cast %parallel_loop3A_67 : i32 to index
        %parallel_loop3A_69 = tpu.vector_load %arg7[%parallel_loop3A_68] {strides = array<i32>} : memref<8192xf32, #tpu.memory_space<vmem>>, vector<16xf32>,
        %parallel_loop3A_70 = arith.constant -1.000000e+02 : f32
        %parallel_loop3A_71 = vector.broadcast %parallel_loop3A_70 : f32 to vector<16xf32>
        %parallel_loop3A_72 = arith.maximumf %parallel_loop3A_69, %parallel_loop3A_71 : vector<16xf32>
        %parallel_loop3A_73 = arith.constant 1.000000e+02 : f32
        %parallel_loop3A_74 = vector.broadcast %parallel_loop3A_73 : f32 to vector<16xf32>
        %parallel_loop3A_75 = arith.minimumf %parallel_loop3A_72, %parallel_loop3A_74 : vector<16xf32>
        %parallel_loop3A_76 = arith.constant -1.000000e+02 : f32
        %parallel_loop3A_77 = vector.broadcast %parallel_loop3A_76 : f32 to vector<16xf32>
        %parallel_loop3A_78 = arith.subf %parallel_loop3A_75, %parallel_loop3A_77 : vector<16xf32>
        %parallel_loop3A_79 = arith.constant 2.499950e+02 : f32
        %parallel_loop3A_80 = vector.broadcast %parallel_loop3A_79 : f32 to vector<16xf32>
        %parallel_loop3A_81 = arith.mulf %parallel_loop3A_78, %parallel_loop3A_80 : vector<16xf32>
        %parallel_loop3A_82 = arith.fptosi %parallel_loop3A_81 : vector<16xf32> to vector<16xi32>
        %parallel_loop3A_83 = arith.sitofp %parallel_loop3A_82 : vector<16xi32> to vector<16xf32>
        %parallel_loop3A_84 = arith.subf %parallel_loop3A_81, %parallel_loop3A_83 : vector<16xf32>
        %parallel_loop3A_85 = tpu.vector_load_idx %arg5[%parallel_loop3A_82] : memref<50016xf32, #tpu.memory_space<vmem>>[vector<16xi32>], vector<16xf32>,
        %parallel_loop3A_86 = arith.constant 1 : i32
        %parallel_loop3A_87 = vector.broadcast %parallel_loop3A_86 : i32 to vector<16xi32>
        %parallel_loop3A_88 = arith.addi %parallel_loop3A_82, %parallel_loop3A_87 : vector<16xi32>
        %parallel_loop3A_89 = tpu.vector_load_idx %arg5[%parallel_loop3A_88] : memref<50016xf32, #tpu.memory_space<vmem>>[vector<16xi32>], vector<16xf32>,
        %parallel_loop3A_90 = arith.subf %parallel_loop3A_89, %parallel_loop3A_85 : vector<16xf32>
        %parallel_loop3A_91 = arith.mulf %parallel_loop3A_84, %parallel_loop3A_90 : vector<16xf32>
        %parallel_loop3A_92 = arith.addf %parallel_loop3A_85, %parallel_loop3A_91 : vector<16xf32>
        %parallel_loop3A_93 = arith.constant 1.000000e+02 : f32
        %parallel_loop3A_94 = vector.broadcast %parallel_loop3A_93 : f32 to vector<16xf32>
        %parallel_loop3A_95 = arith.cmpf ogt, %parallel_loop3A_69, %parallel_loop3A_94 : vector<16xf32>
        %parallel_loop3A_96 = arith.select %parallel_loop3A_95, %parallel_loop3A_69, %parallel_loop3A_92 : vector<16xi1>, vector<16xf32>
        %parallel_loop3A_97 = arith.constant 16 : i32
        %parallel_loop3A_98 = arith.muli %parallel_loop3A_65, %parallel_loop3A_97 : i32
        %parallel_loop3A_99 = arith.index_cast %parallel_loop3A_98 : i32 to index
        %parallel_loop3A_100 = tpu.vector_load %arg9[%parallel_loop3A_99] {strides = array<i32>} : memref<8192xf32, #tpu.memory_space<vmem>>, vector<16xf32>,
        tpu.vector_store %arg9[%parallel_loop3A_99], %parallel_loop3A_96 {strides = array<i32>} : memref<8192xf32, #tpu.memory_space<vmem>>, vector<16xf32>,
      } {sc.loop_unroll_factor = 16 : i64, sc.parallel_access}
      %mul3A_59 = arith.constant 8192 : i32
      %mul3A_60 = arith.muli %add3A_41, %mul3A_59 : i32
      %add3A_61 = arith.addi %mul3A_2, %mul3A_60 : i32
      %dma_start3A_62 = tpu.memref_slice %arg4[%add3A_61] : memref<33554432xf32, #tpu.memory_space<hbm>> -> memref<8192xf32, #tpu.memory_space<hbm>>
      %dma_start3A_63 = tpu.memref_slice %arg4[%add3A_61] : memref<33554432xf32, #tpu.memory_space<hbm>> -> memref<8192xf32, #tpu.memory_space<hbm>>
      tpu.enqueue_dma source(%arg9 : memref<8192xf32, #tpu.memory_space<vmem>>) target(%dma_start3A_63 : memref<8192xf32, #tpu.memory_space<hbm>>) target_semaphore(%arg13 : memref<!tpu.dma_semaphore, #tpu.memory_space<semaphore_mem>>)
      %scan3A_64 = arith.constant 0 : i32
      scf.yield %scan3A_64 : i32
    }
    %scan3A_11 = arith.constant 64 : i32
    %dma_wait3A = tpu.memref_slice %arg4[%mul3A_2] : memref<33554432xf32, #tpu.memory_space<hbm>> -> memref<8192xf32, #tpu.memory_space<hbm>>
    %dma_wait3A_12 = tpu.memref_slice %arg4[%mul3A_2] : memref<33554432xf32, #tpu.memory_space<hbm>> -> memref<8192xf32, #tpu.memory_space<hbm>>
    tpu.wait_dma2 semaphore(%arg12 : memref<!tpu.dma_semaphore, #tpu.memory_space<semaphore_mem>>) src(%arg8 : memref<8192xf32, #tpu.memory_space<vmem>>) dst(%dma_wait3A_12 : memref<8192xf32, #tpu.memory_space<hbm>>)
    %dma_wait3A_13 = tpu.memref_slice %arg4[%mul3A_2] : memref<33554432xf32, #tpu.memory_space<hbm>> -> memref<8192xf32, #tpu.memory_space<hbm>>
    %dma_wait3A_14 = tpu.memref_slice %arg4[%mul3A_2] : memref<33554432xf32, #tpu.memory_space<hbm>> -> memref<8192xf32, #tpu.memory_space<hbm>>
    tpu.wait_dma2 semaphore(%arg13 : memref<!tpu.dma_semaphore, #tpu.memory_space<semaphore_mem>>) src(%arg9 : memref<8192xf32, #tpu.memory_space<vmem>>) dst(%dma_wait3A_14 : memref<8192xf32, #tpu.memory_space<hbm>>)
    return
  }
}

</mosaic_0001>

<sc_bundles>
// kernel: kernel.3.cloned.1.call-start
scs
__scs_entry_jumppad:
0x0: {  	(pc) =	sbr.rel $0x88, $3  }
0x1: {  	(tag) =	ssettag $0x0;
	lr =	simm.s32 $0x1  }
0x2: {  	[smem:$0x3F9F] =	sst lr;
	_ =	strace $0xD0000000  }
0x3: {  	_ = 	snop  }
0x4: {  	_ = 	snop  }
0x5: {  	_ = 	snop  }
0x6: {  	_ = 	snop  }
0x7: {  	_ = 	snop  }
__scs_overlays_trampoline_lowered:
0x8: {  	[smem:$0x3FAE] =	sst s0  }
0x9: {  	[smem:$0x3FAF] =	sst s1  }
0xa: {  	[smem:$0x3FB0] =	sst s2  }
0xb: {  	[smem:$0x3FB1] =	sst s3  }
0xc: {  	[smem:$0x3FB2] =	sst s4  }
0xd: {  	[smem:$0x3FB3] =	sst s5  }
0xe: {  	[smem:$0x3FB4] =	sst s6  }
0xf: {  	[smem:$0x3FB5] =	sst s7  }
0x10: {  	[smem:$0x3FB6] =	sst s8  }
0x11: {  	[smem:$0x3FB7] =	sst s9;
	s0 =	simm.s32 @!p0 $0x0  }
0x12: {  	s1 =	sld [smem:$0x3F9D];
	s0 =	simm.s32 @p0 $0x1  }
0x13: {  	[smem:$0x3FB8] =	sst s0;
	s0 =	simm.s32 @!p1 $0x0  }
0x14: {  	s2 =	sld [smem:$0x3F9C];
	s0 =	simm.s32 @p1 $0x1  }
0x15: {  	[smem:$0x3FB9] =	sst s0;
	s0 =	simm.s32 @!p2 $0x0  }
0x16: {  	s3 =	sld [smem:$0x3FDB];
	s0 =	simm.s32 @p2 $0x1  }
0x17: {  	s4 =	simm.s32 $0x1BF5;
	[smem:$0x3FBB] =	sst s0  }
0x18: {  	s0 =	sld [smem:$0x3F9E];
	_ =	swait.ge [sflag:s4], $0x0  }
0x19: {  	s7 =	sld [smem:$0x3F9F]  }
0x1a: {  	s8 =	sadd.s32 $0xFFFFE003, lr  }
0x1b: {  	s9 =	sadd.s32 $0xFFFFFEF7, lr;
	s5 =	simm.s32 $0xFFFFFFFF;
	p2 =	slt.u32 s8, $0xFFFFF086  }
0x1c: {  	p1 =	slt.u32 s9, $0xF7A;
	s5 =	simm.s32 @!p2 $0x0  }
0x1d: {  	s5 =	simm.s32 @p1 $0x1;
	p0 =	seq.s32 s7, s2  }
0x1e: {  	s7 =	smul.u32 @!p0 $0xF7A, s2;
	p2 =	seq.s32 @!p0 s5, $0x0  }
0x1f: {  	s9 =	smul.u32 $0xF7A, s1;
	s8 =	simm.s32 @!p0 $0x1BF5;
	p2 =	por !p2, p0  }
0x20: {  	[sflag:s8] =	ssyncset.s32 @!p0 $0xFFFFF086;
	s6 =	sadd.s32 @!p0 s3, s7;
	s7 =	simm.s32 @!p0 $0x108  }
0x21: {  	s3 =	sadd.s32 s3, s9;
	s6 =	sadd.s32 @!p0 $0x88, s6;
	s7 =	simm.s32 @p2 $0x1082  }
0x22: {  	[simem:s7], [sflag:s8] =	dma.local @!p0 [hbm:s6], $0xF7A  }
0x23: {  	s9 =	sor.u32 $0xD0000000, s2;
	s6 =	simm.s32 $0x108;
	_ =	swait.ge @!p0 [sflag:s8], $0x0  }
0x24: {  	s3 =	sadd.s32 $0x88, s3;
	s6 =	simm.s32 @!p1 $0x1082;
	[sflag:s4] =	ssyncset.s32 $0xFFFFF086  }
0x25: {  	[simem:s6], [sflag:s4] =	dma.local [hbm:s3], $0xF7A  }
0x26: {  	[smem:$0x3F9F] =	sst s1;
	(tag) =	ssettag s2;
	_ =	strace s9  }
0x27: {  	s1 =	sld [smem:$0x3FAF]  }
0x28: {  	s2 =	sld [smem:$0x3FB0]  }
0x29: {  	s4 =	sld [smem:$0x3FB2]  }
0x2a: {  	p0 =	seq.s32 s5, $0x0;
	s5 =	sld [smem:$0x3FB3]  }
0x2b: {  	s6 =	sld [smem:$0x3FB4]  }
0x2c: {  	s7 =	sld [smem:$0x3FB5]  }
0x2d: {  	s3 =	simm.s32 $0x108;
	s8 =	sld [smem:$0x3FB6]  }
0x2e: {  	s3 =	simm.s32 @!p0 $0x1082;
	s9 =	sld [smem:$0x3FB7]  }
0x2f: {  	lr =	sadd.s32 s0, s3;
	s0 =	sld [smem:$0x3FAE]  }
0x30: {  	s3 =	sld [smem:$0x3FB1]  }
0x31: {  	[smem:$0x3FBA] =	sst s10  }
0x32: {  	s10 =	sld [smem:$0x3FB8];
	_ =	sdelay $0x3  }
0x33: {  	p0 =	seq.s32 s10, $0x1;
	s10 =	sld [smem:$0x3FBA];
	_ =	sdelay $0x3  }
0x34: {  	[smem:$0x3FBA] =	sst s10  }
0x35: {  	s10 =	sld [smem:$0x3FB9];
	_ =	sdelay $0x3  }
0x36: {  	p1 =	seq.s32 s10, $0x1;
	s10 =	sld [smem:$0x3FBA];
	_ =	sdelay $0x3  }
0x37: {  	[smem:$0x3FBA] =	sst s10  }
0x38: {  	s10 =	sld [smem:$0x3FBB]  }
0x39: {  	_ = 	snop;
	(pc) =	sbr.ind lr, $3  }
0x3a: {  	_ = 	snop  }
0x3b: {  	_ = 	snop  }
0x3c: {  	p2 =	seq.s32 s10, $0x1;
	s10 =	sld [smem:$0x3FBA]  }
0x3d: {  	_ =	shalt  }
0x3e: {  	_ =	shalt  }
0x3f: {  	_ =	shalt  }
0x40: {  	_ =	shalt  }
0x41: {  	_ =	shalt  }
0x42: {  	_ =	shalt  }
0x43: {  	_ =	shalt  }
0x44: {  	_ =	shalt  }
0x45: {  	_ =	shalt  }
0x46: {  	_ =	shalt  }
0x47: {  	_ =	shalt  }
0x48: {  	_ =	shalt  }
0x49: {  	_ =	shalt  }
0x4a: {  	_ =	shalt  }
0x4b: {  	_ =	shalt  }
0x4c: {  	_ =	shalt  }
0x4d: {  	_ =	shalt  }
0x4e: {  	_ =	shalt  }
0x4f: {  	_ =	shalt  }
0x50: {  	_ =	shalt  }
0x51: {  	_ =	shalt  }
0x52: {  	_ =	shalt  }
0x53: {  	_ =	shalt  }
0x54: {  	_ =	shalt  }
0x55: {  	_ =	shalt  }
0x56: {  	_ =	shalt  }
0x57: {  	_ =	shalt  }
0x58: {  	_ =	shalt  }
0x59: {  	_ =	shalt  }
0x5a: {  	_ =	shalt  }
0x5b: {  	_ =	shalt  }
0x5c: {  	_ =	shalt  }
0x5d: {  	_ =	shalt  }
0x5e: {  	_ =	shalt  }
0x5f: {  	_ =	shalt  }
0x60: {  	_ =	shalt  }
0x61: {  	_ =	shalt  }
0x62: {  	_ =	shalt  }
0x63: {  	_ =	shalt  }
0x64: {  	_ =	shalt  }
0x65: {  	_ =	shalt  }
0x66: {  	_ =	shalt  }
0x67: {  	_ =	shalt  }
0x68: {  	_ =	shalt  }
0x69: {  	_ =	shalt  }
0x6a: {  	_ =	shalt  }
0x6b: {  	_ =	shalt  }
0x6c: {  	_ =	shalt  }
0x6d: {  	_ =	shalt  }
0x6e: {  	_ =	shalt  }
0x6f: {  	_ =	shalt  }
0x70: {  	_ =	shalt  }
0x71: {  	_ =	shalt  }
0x72: {  	_ =	shalt  }
0x73: {  	_ =	shalt  }
0x74: {  	_ =	shalt  }
0x75: {  	_ =	shalt  }
0x76: {  	_ =	shalt  }
0x77: {  	_ =	shalt  }
0x78: {  	_ =	shalt  }
0x79: {  	_ =	shalt  }
0x7a: {  	_ =	shalt  }
0x7b: {  	_ =	shalt  }
0x7c: {  	_ =	shalt  }
0x7d: {  	_ =	shalt  }
0x7e: {  	_ =	shalt  }
0x7f: {  	_ =	shalt  }
0x80: {  	_ =	shalt  }
0x81: {  	_ =	shalt  }
0x82: {  	_ =	shalt  }
0x83: {  	_ =	shalt  }
0x84: {  	_ =	shalt  }
0x85: {  	_ =	shalt  }
0x86: {  	_ =	shalt  }
0x87: {  	_ =	shalt  }
.Lfunc_end0:
.L_simem_size_0:
called_computation.1_lowered:
.L_overlay_start_0:
0x88: {  	s2 =	sld [smem:$0x3FD9]  }
0x89: {  	s3 =	sld [smem:$0x3FFE];
	_ =	sdelay $0x1  }
0x8a: {  	s1 =	srdreg.scid  }
0x8b: {  	s0 =	sand.u32 $0x1, s1  }
0x8c: {  	s17 =	sshll.u32 s0, $0xA;
	s2 =	sadd.s32 s3, s2  }
0x8d: {  	s2 =	sadd.s32 s2, s17  }
0x8e: {  	[smem:$0x3FC6] =	sst s2  }
0x8f: {  	_ = 	snop  }
0x90: {  	s2 =	sld [smem:$0x3FC8]  }
0x91: {  	s18 =	sld [smem:$0x3FD0];
	(tm) =	ssettm $0x1  }
0x92: {  	s4 =	sld [smem:$0x3FFB];
	_ =	sdelay $0x3  }
0x93: {  	_ =	strace s4  }
0x94: {  	s4 =	sld [smem:$0x3FFC];
	_ =	sdelay $0x3  }
0x95: {  	_ =	strace s4  }
0x96: {  	s4 =	sld [smem:$0x3FFD];
	_ =	sdelay $0x3  }
0x97: {  	_ =	strace s4  }
0x98: {  	_ =	strace $0x8FFFFFFF  }
0x99: {  	s19 =	sld [smem:$0x3FDB];
	_ =	sdelay $0x1  }
0x9a: {  	s5 =	simm.s32 $_scs_section_size  }
0x9b: {  	s6 =	simm.s32 $_size__tile_overlayer_lowered;
	s7 =	simm.s32 $_tile_overlayer_lowered  }
0x9c: {  	s22 =	simm.s32 $0x1BFF;
	s21 =	sshll.u32 s7, $0x1;
	s4 =	sadd.s32 s5, s19  }
0x9d: {  	s8 =	simm.s32 $0x0;
	s20 =	sshll.u32 s6, $0x1;
	s6 =	sadd.s32 s21, s4  }
0x9e: {  	[timem:s8], [sflag:s22] =	dma.local [hbm:s6], s20  }
0x9f: {  	_ =	swait.ge [sflag:s22], s20  }
0xa0: {  	s5 =	ssub.s32 $0x0, s20;
	[sflag:s22] =	ssyncset.done $0x0  }
0xa1: {  	[sflag:s22] =	ssyncadd.s32 s5;
	_ =	sdelay $0x1  }
0xa2: {  	s23 =	simm.s32 $0x1B8B  }
0xa3: {  	_ =	swait.ge [sflag:s23], $0x1  }
0xa4: {  	[sflag:s23] =	ssyncset.done $0x0  }
0xa5: {  	s25 =	simm.s32 $0x1B8E;
	s24 =	sld [smem:$0x3FFE];
	[sflag:s23] =	ssyncadd.s32 $0xFFFFFFFF  }
0xa6: {  	s26 =	simm.s32 $execute0_lowered;
	[smem:$0x3FD2] =	sst s25  }
0xa7: {  	s6 =	sshll.u32 s26, $0x1;
	_ =	strace $0x80000049;
	[dreg:$0x1] =	wrdreg $0xFFFFFFFF  }
0xa8: {  	s28 =	simm.s32 $_size_execute0_lowered;
	s4 =	sadd.s32 s4, s6;
	[dreg:$0x0] =	wrdreg $0x0  }
0xa9: {  	s6 =	sshll.u32 s28, $0x1;
	[dreg:$0x2] =	wrdreg s4  }
0xaa: {  	[dreg:$0x3] =	wrdreg s6  }
0xab: {  	[dreg:$0x4] =	wrdreg $0xC0  }
0xac: {  	_ =	task [dreg:s8], $0x5FFFF  }
0xad: {  	[dreg:$0x1] =	wrdreg $0xFFFFFFFF  }
0xae: {  	[dreg:$0x0] =	wrdreg $0x60  }
0xaf: {  	[dreg:$0x2] =	wrdreg s18  }
0xb0: {  	[dreg:$0x3] =	wrdreg s2  }
0xb1: {  	[dreg:$0x4] =	wrdreg s24  }
0xb2: {  	[dreg:$0x5] =	wrdreg $0x9  }
0xb3: {  	_ =	task.clear_ibuf [dreg:s8], $0x6FFFF;
	_ =	strace $0x90000049  }
0xb4: {  	s29 =	simm.s32 $0x9;
	_ =	strace $0x8000004B  }
0xb5: {  	_ =	swait.ge [sflag:s29], $0x1  }
0xb6: {  	[sflag:s29] =	ssyncadd.s32 $0xFFFFFFFF  }
0xb7: {  	_ =	strace $0x9000004B  }
0xb8: {  	_ =	sfence  }
0xb9: {  	s30 =	sld [smem:$0x0];
	_ =	sdelay $0x2  }
0xba: {  	s31 =	sshll.u32 s1, $0xD;
	s1 =	sshrl.u32 s1, $0x2  }
0xbb: {  	s3 =	sand.u32 $0x4000, s31;
	s1 =	sadd.s32 s1, s30  }
0xbc: {  	s0 =	sor.u32 s3, s0;
	s1 =	sshll.u32 s1, $0x11  }
0xbd: {  	s0 =	sor.u32 s1, s0  }
0xbe: {  	s0 =	sadd.s32 $0x8F2B, s0  }
0xbf: {  	[sflag:s0] =	ssyncadd.remote.s32 $0x1  }
0xc0: {  	_ =	sfence.sel $0xFFFF  }
0xc1: {  	[dreg:$0x0] =	wrdreg $0xFFFFFFFF;
	(pc) =	sbr.abs _section_cstart, $3  }
0xc2: {  	[dreg:$0x1] =	wrdreg $0xFFFFFFFF  }
0xc3: {  	_ =	task.clear_ibuf [dreg:s8], $0x2FFFF;
	_ =	strace $0x9FFFFFFF  }
0xc4: {  	(tm) =	ssettm $0x7FFFFFFF  }
0xc5: {  	_ =	shalt  }
tec
execute0_lowered:
.L_overlay_start_1:
0x0: {  	(tag) =	ssettag $0x1  }
0x1: {  	s1 =	rddreg [dreg:$0x0]  }
0x2: {  	s2 =	rddreg [dreg:$0x1]  }
0x3: {  	s6 =	rddreg [dreg:$0x2]  }
0x4: {  	s0 =	rddreg [dreg:$0x3];
	s5 =	srdreg.scid  }
0x5: {  	s4 =	simm.s32 $0x0;
	s3 =	stileid.u32;
	s11 =	simm.s32 $0x5  }
0x6: {  	s12 =	simm.s32 $0xC380;
	s13 =	simm.s32 $0xE380;
	s14 =	simm.s32 $0x1  }
0x7: {  	s15 =	simm.s32 $0x10380;
	s16 =	simm.s32 $0x2;
	s17 =	simm.s32 $0x4  }
0x8: {  	s18 =	simm.s32 $0x12380;
	s19 =	simm.s32 $0x3;
	s20 =	simm.s32 $0x0  }
0x9: {  	s5 =	sand.u32 $0x1, s5;
	[smem:$0x7FF] =	sst s4;
	s7 =	sshll.u32 s3, $0x15  }
0xa: {  	s6 =	sadd.s32 $0x800, s6;
	s8 =	sshll.u32 s5, $0x14;
	s9 =	ssub.s32 $0x2, s5  }
0xb: {  	_ =	strace $0x8000004A;
	s5 =	sor.u32 s8, s7;
	s31 =	sshrl.u32 s9, $0x1  }
0xc: {  	s8 =	sshrl.u32 s5, $0x3;
	s10 =	ssub.s32 s9, s31;
	s9 =	sor.u32 $0x4000, s5  }
0xd: {  	v0 =	vimm.s32 $0xC34F;
	s7 =	sadd.s32 s1, s8;
	s8 =	sor.u32 $0x2000, s5;
	s10 =	smax.u32 s10, $0x1  }
.LBB2_1:
0xe: {  	[tilespmem:s4], [sflag:$0x5] =	stream.linear.gather [hbm4b:s2+s4], $0xC350, $0x38;
	[tilespmem:$0x14380] =	vst v63  }
0xf: {  	_ =	swait.ge [sflag:s11], $0xC350  }
0x10: {  	[sflag:s11] =	ssyncset.done $0x0  }
0x11: {  	[sflag:s11] =	ssyncadd.s32 $0xFFFF3CB0  }
0x12: {  	v1 =	vld.idx.msk [tilespmem:v0+s4+$0x0], $0xffff;
	_ =	sdelay $0x4  }
0x13: {  	s21 =	simm.s32 $0x0;
	[tilespmem:$0xC350] =	vst v1  }
0x14: {  	[tilespmem:s12], [sflag:$0x1] =	stream.linear.gather [hbm4b:s7+s4], $0x2000, $0x38;
	[tilespmem:$0x14380] =	vst v63  }
.LBB2_2:
0x15: {  	s23 =	sshll.u32 s21, $0xE  }
0x16: {  	s22 =	sadd.s32 s8, s23  }
0x17: {  	s22 =	sshrl.u32 s22, $0x3  }
0x18: {  	s24 =	sadd.s32 s1, s22  }
0x19: {  	[tilespmem:s13], [sflag:$0x2] =	stream.linear.gather [hbm4b:s24+s4], $0x2000, $0x38;
	[tilespmem:$0x14380] =	vst v63  }
0x1a: {  	_ =	swait.ge [sflag:s14], $0x2000  }
0x1b: {  	p0 =	seq.s32 s21, $0x0;
	[sflag:s14] =	ssyncset.done $0x0  }
0x1c: {  	s24 =	simm.s32 @!p0 $0x3;
	[sflag:s14] =	ssyncadd.s32 $0xFFFFE000  }
0x1d: {  	_ =	swait.ge @!p0 [sflag:s24], $0x2000  }
0x1e: {  	[sflag:s24] =	ssyncset.done @!p0 $0x0  }
0x1f: {  	s31 =	simm.s32 $0xC400;
	[sflag:s24] =	ssyncadd.s32 @!p0 $0xFFFFE000  }
0x20: {  	v13 =	vld [tilespmem:s31+$0xFFFFFF80]  }
0x21: {  	v1 =	vld [tilespmem:s31+$0x60]  }
0x22: {  	v19 =	vld [tilespmem:s31+$0x50]  }
0x23: {  	v12 =	vld [tilespmem:s31+$0x40]  }
0x24: {  	v2 =	vld [tilespmem:s31+$0xFFFFFF90]  }
0x25: {  	v10 =	vld [tilespmem:s31+$0xFFFFFFA0]  }
0x26: {  	v16 =	vld [tilespmem:s31+$0x70]  }
0x27: {  	v14 =	vld [tilespmem:s31+$0x0]  }
0x28: {  	v15 =	vld [tilespmem:s31+$0xFFFFFFE0];
	_ =	sdelay $0x1  }
0x29: {  	v17 =	vld [tilespmem:s31+$0x30];
	v3 =	vmax.f32 v13, $-1.000000000e+02  }
0x2a: {  	v5 =	vmax.f32 v12, $-1.000000000e+02;
	v6 =	vmax.f32 v2, $-1.000000000e+02;
	v8 =	vmax.f32 v19, $-1.000000000e+02  }
0x2b: {  	v9 =	vmax.f32 v1, $-1.000000000e+02;
	v11 =	vmax.f32 v10, $-1.000000000e+02;
	v18 =	vmax.f32 v16, $-1.000000000e+02  }
0x2c: {  	vm5 =	vgt.f32 v14, $1.000000000e+02;
	vm4 =	vgt.f32 v15, $1.000000000e+02;
	v29 =	vmax.f32 v14, $-1.000000000e+02  }
0x2d: {  	vm6 =	vgt.f32 v12, $1.000000000e+02;
	vm7 =	vgt.f32 v16, $1.000000000e+02;
	vm2 =	vgt.f32 v1, $1.000000000e+02  }
0x2e: {  	vm3 =	vgt.f32 v19, $1.000000000e+02;
	vm8 =	vgt.f32 v17, $1.000000000e+02;
	v4 =	vmin.f32 v3, $1.000000000e+02  }
0x2f: {  	v7 =	vmin.f32 v5, $1.000000000e+02;
	v6 =	vmin.f32 v6, $1.000000000e+02;
	v9 =	vmin.f32 v9, $1.000000000e+02  }
0x30: {  	v18 =	vmin.f32 v18, $1.000000000e+02;
	v4 =	vadd.f32 $1.000000000e+02, v4;
	v7 =	vadd.f32 $1.000000000e+02, v7  }
0x31: {  	v3 =	vld [tilespmem:s31+$0xFFFFFFC0];
	v11 =	vmin.f32 v11, $1.000000000e+02;
	v6 =	vadd.f32 $1.000000000e+02, v6;
	v9 =	vadd.f32 $1.000000000e+02, v9  }
0x32: {  	v5 =	vld [tilespmem:s31+$0x20];
	v28 =	vadd.f32 $1.000000000e+02, v18;
	v18 =	vmax.f32 v15, $-1.000000000e+02;
	v11 =	vadd.f32 $1.000000000e+02, v11  }
0x33: {  	v31 =	vmin.f32 v18, $1.000000000e+02;
	v18 =	vmin.f32 v29, $1.000000000e+02;
	v20 =	vmul.f32 $2.499949950e+02, v7  }
0x34: {  	v22 =	vmul.f32 $2.499949950e+02, v4;
	v23 =	vmul.f32 $2.499949950e+02, v6;
	v6 =	vmin.f32 v8, $1.000000000e+02  }
0x35: {  	v32 =	vadd.f32 $1.000000000e+02, v18;
	v9 =	vmul.f32 $2.499949950e+02, v9;
	v28 =	vmul.f32 $2.499949950e+02, v28  }
0x36: {  	v58 =	vmul.f32 $2.499949950e+02, v11;
	v21 =	vadd.f32 $1.000000000e+02, v6;
	v4 =	vtrunc.f32 v20  }
0x37: {  	v7 =	vld [tilespmem:s31+$0xFFFFFFB0];
	v8 =	vmax.f32 v3, $-1.000000000e+02;
	v25 =	vmax.f32 v5, $-1.000000000e+02;
	v30 =	vtrunc.f32 v22  }
0x38: {  	vm1 =	vgt.f32 v5, $1.000000000e+02;
	v32 =	vmul.f32 $2.499949950e+02, v32;
	v42 =	vtrunc.f32 v58  }
0x39: {  	v24 =	vcvt.f32.s32 v4;
	v4 =	vmax.f32 v17, $-1.000000000e+02;
	v25 =	vmin.f32 v25, $1.000000000e+02  }
0x3a: {  	v6 =	vld [tilespmem:s31+$0x10];
	v29 =	vmul.f32 $2.499949950e+02, v21;
	v59 =	vmin.f32 v8, $1.000000000e+02;
	v42 =	vcvt.f32.s32 v42  }
0x3b: {  	v26 =	vmin.f32 v4, $1.000000000e+02;
	v25 =	vadd.f32 $1.000000000e+02, v25;
	v43 =	vtrunc.f32 v32  }
0x3c: {  	v27 =	vadd.s32 $0x1, v24;
	vm0 =	vgt.f32 v7, $1.000000000e+02;
	v18 =	vcvt.s32.f32 v24  }
0x3d: {  	v35 =	vtrunc.f32 v29;
	v11 =	vadd.f32 $1.000000000e+02, v26;
	v26 =	vtrunc.f32 v28  }
0x3e: {  	v33 =	vmax.f32 v7, $-1.000000000e+02;
	v43 =	vcvt.f32.s32 v43;
	v48 =	vcvt.s32.f32 v42  }
0x3f: {  	v8 =	vld [tilespmem:s31+$0xFFFFFFF0];
	v52 =	vadd.s32 $0x1, v42;
	v34 =	vmax.f32 v6, $-1.000000000e+02;
	v33 =	vmin.f32 v33, $1.000000000e+02  }
0x40: {  	v4 =	vld [tilespmem:s31+$0xFFFFFFD0];
	v26 =	vcvt.f32.s32 v26;
	v21 =	vsub.f32 v20, v18;
	v20 =	vcvt.f32.s32 v35  }
0x41: {  	v34 =	vmin.f32 v34, $1.000000000e+02;
	v33 =	vadd.f32 $1.000000000e+02, v33;
	v40 =	vmul.f32 $2.499949950e+02, v11  }
0x42: {  	v51 =	vadd.s32 $0x1, v43;
	v18 =	vld.idx.msk [tilespmem:v24+s4+$0x0], $0xffff;
	v24 =	vcvt.f32.s32 v30;
	v35 =	vadd.s32 $0x1, v20  }
0x43: {  	v60 =	vcvt.s32.f32 v43;
	v34 =	vadd.f32 $1.000000000e+02, v34;
	v41 =	vcvt.s32.f32 v26  }
0x44: {  	v46 =	vadd.s32 $0x1, v26;
	v50 =	vmax.f32 v8, $-1.000000000e+02;
	v38 =	vadd.s32 $0x1, v24  }
0x45: {  	v36 =	vmax.f32 v4, $-1.000000000e+02;
	v30 =	vadd.f32 $1.000000000e+02, v31;
	v31 =	vcvt.s32.f32 v20;
	v27 =	vld.idx.msk [tilespmem:v27+s4+$0x0], $0xffff  }
0x46: {  	v33 =	vmul.f32 $2.499949950e+02, v33;
	v32 =	vsub.f32 v32, v60;
	v36 =	vmin.f32 v36, $1.000000000e+02;
	v20 =	vld.idx.msk [tilespmem:v20+s4+$0x0], $0xffff  }
0x47: {  	v28 =	vsub.f32 v28, v41;
	v37 =	vcvt.s32.f32 v24;
	v30 =	vmul.f32 $2.499949950e+02, v30;
	v11 =	vld.idx.msk [tilespmem:v35+s4+$0x0], $0xffff  }
0x48: {  	v61 =	vtrunc.f32 v40;
	v29 =	vsub.f32 v29, v31;
	v36 =	vadd.f32 $1.000000000e+02, v36;
	v24 =	vld.idx.msk [tilespmem:v24+s4+$0x0], $0xffff  }
0x49: {  	v44 =	vtrunc.f32 v33;
	v31 =	vsub.f32 v22, v37;
	v39 =	vtrunc.f32 v30;
	v38 =	vld.idx.msk [tilespmem:v38+s4+$0x0], $0xffff  }
0x4a: {  	v43 =	vld.idx.msk [tilespmem:v43+s4+$0x0], $0xffff;
	v36 =	vmul.f32 $2.499949950e+02, v36;
	v22 =	vsub.f32 v27, v18;
	v27 =	vtrunc.f32 v23  }
0x4b: {  	v51 =	vld.idx.msk [tilespmem:v51+s4+$0x0], $0xffff;
	v39 =	vcvt.f32.s32 v39;
	v35 =	vadd.f32 $1.000000000e+02, v59;
	v27 =	vcvt.f32.s32 v27  }
0x4c: {  	v37 =	vsub.f32 v58, v48;
	v53 =	vtrunc.f32 v36;
	v11 =	vsub.f32 v11, v20  }
0x4d: {  	v45 =	vadd.s32 $0x1, v39;
	v35 =	vmul.f32 $2.499949950e+02, v35;
	v49 =	vcvt.s32.f32 v27  }
0x4e: {  	v62 =	vcvt.s32.f32 v39;
	v29 =	vmul.f32 v29, v11;
	v38 =	vsub.f32 v38, v24  }
0x4f: {  	v53 =	vcvt.f32.s32 v53;
	v11 =	vsub.f32 v23, v49;
	v23 =	vcvt.f32.s32 v44  }
0x50: {  	v51 =	vsub.f32 v51, v43;
	v20 =	vadd.f32 v29, v20;
	v29 =	vmul.f32 v31, v38  }
0x51: {  	v42 =	vld.idx.msk [tilespmem:v42+s4+$0x0], $0xffff;
	v21 =	vmul.f32 v21, v22;
	v31 =	vmin.f32 v50, $1.000000000e+02;
	v38 =	vmul.f32 $2.499949950e+02, v25  }
0x52: {  	v25 =	vld.idx.msk [tilespmem:v26+s4+$0x0], $0xffff;
	v50 =	vsel vm3, v19, v20;
	v20 =	vadd.f32 v29, v24;
	v29 =	vcvt.f32.s32 v61  }
0x53: {  	v54 =	vadd.s32 $0x1, v53;
	v31 =	vadd.f32 $1.000000000e+02, v31;
	v19 =	vld.idx.msk [tilespmem:v46+s4+$0x0], $0xffff;
	vm3 =	vgt.f32 v13, $1.000000000e+02  }
0x54: {  	v52 =	vld.idx.msk [tilespmem:v52+s4+$0x0], $0xffff;
	v24 =	vtrunc.f32 v38;
	v46 =	vsel vm3, v13, v20;
	v13 =	vadd.s32 $0x1, v29  }
0x55: {  	v26 =	vadd.s32 $0x1, v23;
	v31 =	vmul.f32 $2.499949950e+02, v31;
	v41 =	vld.idx.msk [tilespmem:v23+s4+$0x0], $0xffff;
	v23 =	vcvt.s32.f32 v23  }
0x56: {  	v30 =	vsub.f32 v30, v62;
	v32 =	vmul.f32 v32, v51;
	v39 =	vld.idx.msk [tilespmem:v39+s4+$0x0], $0xffff;
	v24 =	vcvt.f32.s32 v24  }
0x57: {  	v45 =	vld.idx.msk [tilespmem:v45+s4+$0x0], $0xffff;
	v57 =	vtrunc.f32 v31;
	v33 =	vsub.f32 v33, v23;
	v23 =	vcvt.s32.f32 v53  }
0x58: {  	v20 =	vcvt.s32.f32 v29;
	v62 =	vcvt.f32.s32 v57;
	v63 =	vsub.f32 v19, v25;
	v29 =	vld.idx.msk [tilespmem:v29+s4+$0x0], $0xffff  }
0x59: {  	v48 =	vadd.s32 $0x1, v24;
	v19 =	vtrunc.f32 v35;
	v36 =	vsub.f32 v36, v23;
	v60 =	vld.idx.msk [tilespmem:v13+s4+$0x0], $0xffff  }
0x5a: {  	v22 =	vld.idx.msk [tilespmem:v54+s4+$0x0], $0xffff;
	v13 =	vtrunc.f32 v9;
	v23 =	vmul.f32 v28, v63;
	v63 =	vadd.s32 $0x1, v62  }
0x5b: {  	v18 =	vadd.f32 v21, v18;
	v26 =	vld.idx.msk [tilespmem:v26+s4+$0x0], $0xffff;
	v61 =	vcvt.f32.s32 v19;
	v55 =	vcvt.f32.s32 v13  }
0x5c: {  	v34 =	vmul.f32 $2.499949950e+02, v34;
	v47 =	vadd.s32 $0x1, v27;
	v45 =	vsub.f32 v45, v39;
	v58 =	vld.idx.msk [tilespmem:v24+s4+$0x0], $0xffff  }
0x5d: {  	v32 =	vadd.f32 v32, v43;
	v18 =	vsel vm6, v12, v18;
	v13 =	vld.idx.msk [tilespmem:v27+s4+$0x0], $0xffff;
	v56 =	vadd.s32 $0x1, v61  }
0x5e: {  	v30 =	vmul.f32 v30, v45;
	v20 =	vsub.f32 v40, v20;
	v48 =	vld.idx.msk [tilespmem:v48+s4+$0x0], $0xffff;
	v44 =	vsub.f32 v60, v29  }
0x5f: {  	v24 =	vcvt.s32.f32 v24;
	v27 =	vtrunc.f32 v34;
	v28 =	vadd.s32 $0x1, v55;
	v63 =	vld.idx.msk [tilespmem:v63+s4+$0x0], $0xffff  }
0x60: {  	v44 =	vmul.f32 v20, v44;
	v20 =	vld.idx.msk [tilespmem:v53+s4+$0x0], $0xffff;
	v53 =	vcvt.f32.s32 v27;
	v27 =	vadd.f32 v23, v25  }
0x61: {  	v26 =	vsub.f32 v26, v41;
	v19 =	vcvt.s32.f32 v55;
	v23 =	vld.idx.msk [tilespmem:v55+s4+$0x0], $0xffff;
	v55 =	vsub.f32 v52, v42  }
0x62: {  	s24 =	simm.s32 $0x10400;
	v57 =	vld.idx.msk [tilespmem:v56+s4+$0x0], $0xffff;
	v29 =	vadd.f32 v44, v29;
	v16 =	vsel vm7, v16, v27;
	v59 =	vadd.s32 $0x1, v53  }
0x63: {  	v25 =	vld.idx.msk [tilespmem:v61+s4+$0x0], $0xffff;
	v27 =	vcvt.s32.f32 v61;
	v61 =	vcvt.s32.f32 v62;
	[tilespmem:s24+$0x70] =	vst v16;
	v16 =	vsub.f32 v38, v24  }
0x64: {  	v17 =	vsel vm8, v17, v29;
	v29 =	vadd.f32 v30, v39;
	v30 =	vsel vm5, v14, v32;
	v14 =	vld.idx.msk [tilespmem:v62+s4+$0x0], $0xffff  }
0x65: {  	v60 =	vmul.f32 v37, v55;
	v24 =	vsub.f32 v48, v58;
	v62 =	vld.idx.msk [tilespmem:v28+s4+$0x0], $0xffff;
	v21 =	vsub.f32 v35, v27  }
0x66: {  	[tilespmem:s24+$0x40] =	vst v18;
	v27 =	vld.idx.msk [tilespmem:v47+s4+$0x0], $0xffff;
	v12 =	vsub.f32 v31, v61;
	v29 =	vsel vm4, v15, v29;
	v15 =	vcvt.s32.f32 v53  }
0x67: {  	vm3 =	vgt.f32 v2, $1.000000000e+02;
	v31 =	vmul.f32 v33, v26;
	[tilespmem:s24+$0x30] =	vst v17;
	v26 =	vmul.f32 v16, v24;
	v24 =	vld.idx.msk [tilespmem:v59+s4+$0x0], $0xffff  }
0x68: {  	vm5 =	vgt.f32 v10, $1.000000000e+02;
	[tilespmem:s24+$0x0] =	vst v30;
	v30 =	vadd.f32 v60, v42;
	v17 =	vsub.f32 v34, v15;
	v15 =	vld.idx.msk [tilespmem:v53+s4+$0x0], $0xffff  }
0x69: {  	[tilespmem:s24+$0x50] =	vst v50;
	v22 =	vsub.f32 v22, v20;
	v28 =	vsub.f32 v57, v25;
	vm4 =	vgt.f32 v3, $1.000000000e+02  }
0x6a: {  	[tilespmem:s24+$0xFFFFFF80] =	vst v46;
	v26 =	vadd.f32 v26, v58;
	v30 =	vsel vm5, v10, v30;
	v10 =	vadd.f32 v31, v41  }
0x6b: {  	s25 =	simm.s32 $0x0;
	s26 =	simm.s32 $0xC500;
	s28 =	simm.s32 $0x10400;
	v16 =	vmul.f32 v36, v22;
	[tilespmem:s24+$0xFFFFFFE0] =	vst v29;
	v22 =	vsub.f32 v62, v23;
	v29 =	vsub.f32 v63, v14  }
.LBB2_3:
0x6c: {  	v18 =	vld [tilespmem:s26+$0xFFFFFF80];
	s25 =	sadd.s32 $0x10, s25;
	v27 =	vsub.f32 v27, v13;
	[tilespmem:s24+$0xFFFFFFA0] =	vst v30;
	v21 =	vmul.f32 v21, v28;
	v9 =	vsub.f32 v9, v19;
	s28 =	sadd.s32 $0x100, s28  }
0x6d: {  	v24 =	vsub.f32 v24, v15;
	v28 =	vld [tilespmem:s26+$0x60];
	p1 =	slt.u32 s25, $0x1F0;
	v7 =	vsel vm0, v7, v10;
	v10 =	vmul.f32 v12, v29  }
0x6e: {  	v5 =	vsel vm1, v5, v26;
	v19 =	vld [tilespmem:s26+$0x50];
	v11 =	vmul.f32 v11, v27;
	[tilespmem:s24+$0xFFFFFFB0] =	vst v7;
	v7 =	vadd.f32 v21, v25  }
0x6f: {  	vm0 =	vgt.f32 v8, $1.000000000e+02;
	v12 =	vld [tilespmem:s26+$0x40];
	v21 =	vadd.f32 v10, v14;
	v14 =	vmul.f32 v17, v24  }
0x70: {  	v17 =	vld [tilespmem:s26+$0xFFFFFF90];
	v11 =	vadd.f32 v11, v13;
	v3 =	vsel vm4, v3, v7;
	[tilespmem:s24+$0x20] =	vst v5;
	v5 =	vmul.f32 v9, v22  }
0x71: {  	vm1 =	vgt.f32 v6, $1.000000000e+02;
	v7 =	vmax.f32 v18, $-1.000000000e+02;
	v10 =	vld [tilespmem:s26+$0xFFFFFFA0];
	[tilespmem:s24+$0xFFFFFFC0] =	vst v3;
	v3 =	vadd.f32 v14, v15  }
0x72: {  	v14 =	vld [tilespmem:s26+$0x70];
	v9 =	vsel vm3, v2, v11;
	v2 =	vsel vm0, v8, v21;
	v5 =	vadd.f32 v5, v23  }
0x73: {  	v11 =	vadd.f32 v16, v20;
	v8 =	vld [tilespmem:s26+$0xFFFFFFD0];
	[tilespmem:s24+$0xFFFFFFF0] =	vst v2;
	v16 =	vsel vm1, v6, v3  }
0x74: {  	vm0 =	vgt.f32 v4, $1.000000000e+02;
	v6 =	vmin.f32 v7, $1.000000000e+02;
	v3 =	vld [tilespmem:s26+$0xFFFFFFC0];
	[tilespmem:s24+$0x10] =	vst v16;
	v13 =	vsel vm2, v1, v5;
	v1 =	vmovc v28  }
0x75: {  	v6 =	vadd.f32 $1.000000000e+02, v6;
	v7 =	vmax.f32 v12, $-1.000000000e+02;
	v5 =	vmax.f32 v17, $-1.000000000e+02;
	v15 =	vld [tilespmem:s26+$0x0];
	[tilespmem:s24+$0x60] =	vst v13;
	v2 =	vmovc v17  }
0x76: {  	v22 =	vsel vm0, v4, v11;
	v7 =	vmin.f32 v7, $1.000000000e+02;
	v13 =	vmax.f32 v19, $-1.000000000e+02;
	v17 =	vld [tilespmem:s26+$0x30];
	[tilespmem:s24+$0xFFFFFF90] =	vst v9  }
0x77: {  	v11 =	vmax.f32 v1, $-1.000000000e+02;
	v9 =	vmin.f32 v5, $1.000000000e+02;
	v7 =	vadd.f32 $1.000000000e+02, v7;
	v5 =	vld [tilespmem:s26+$0x20];
	[tilespmem:s24+$0xFFFFFFD0] =	vst v22;
	s24 =	smov.u32 s28  }
0x78: {  	v20 =	vmax.f32 v10, $-1.000000000e+02;
	v9 =	vadd.f32 $1.000000000e+02, v9;
	v21 =	vmax.f32 v14, $-1.000000000e+02;
	v16 =	vld [tilespmem:s26+$0xFFFFFFE0];
	v4 =	vmovc v8  }
0x79: {  	v11 =	vmin.f32 v11, $1.000000000e+02;
	v22 =	vmul.f32 $2.499949950e+02, v7;
	v21 =	vmin.f32 v21, $1.000000000e+02;
	v8 =	vld [tilespmem:s26+$0xFFFFFFF0]  }
0x7a: {  	v23 =	vmul.f32 $2.499949950e+02, v6;
	v11 =	vadd.f32 $1.000000000e+02, v11;
	v7 =	vld [tilespmem:s26+$0xFFFFFFB0];
	vm4 =	vgt.f32 v15, $1.000000000e+02  }
0x7b: {  	v25 =	vmul.f32 $2.499949950e+02, v9;
	v9 =	vmin.f32 v13, $1.000000000e+02;
	v6 =	vtrunc.f32 v22  }
0x7c: {  	v13 =	vmax.f32 v3, $-1.000000000e+02;
	v9 =	vadd.f32 $1.000000000e+02, v9;
	v24 =	vcvt.f32.s32 v6  }
0x7d: {  	v27 =	vmax.f32 v17, $-1.000000000e+02;
	v26 =	vmax.f32 v5, $-1.000000000e+02;
	vm5 =	vgt.f32 v16, $1.000000000e+02  }
0x7e: {  	v29 =	vadd.f32 $1.000000000e+02, v21;
	v27 =	vmin.f32 v27, $1.000000000e+02;
	v28 =	vadd.s32 $0x1, v24;
	v6 =	vld [tilespmem:s26+$0x10]  }
0x7f: {  	v30 =	vmax.f32 v15, $-1.000000000e+02;
	v21 =	vmax.f32 v16, $-1.000000000e+02;
	vm0 =	vgt.f32 v7, $1.000000000e+02  }
0x80: {  	v20 =	vmin.f32 v20, $1.000000000e+02;
	v31 =	vtrunc.f32 v23;
	v32 =	vmin.f32 v21, $1.000000000e+02  }
0x81: {  	v26 =	vmin.f32 v26, $1.000000000e+02;
	v21 =	vmin.f32 v30, $1.000000000e+02;
	v30 =	vmul.f32 $2.499949950e+02, v9  }
0x82: {  	v34 =	vadd.f32 $1.000000000e+02, v26;
	v9 =	vcvt.s32.f32 v24;
	v33 =	vadd.f32 $1.000000000e+02, v21  }
0x83: {  	v26 =	vmax.f32 v7, $-1.000000000e+02;
	v36 =	vtrunc.f32 v30;
	v35 =	vmax.f32 v6, $-1.000000000e+02;
	v28 =	vld.idx.msk [tilespmem:v28+s4+$0x0], $0xffff  }
0x84: {  	v37 =	vmax.f32 v4, $-1.000000000e+02;
	v22 =	vsub.f32 v22, v9;
	v36 =	vcvt.f32.s32 v36;
	v21 =	vld.idx.msk [tilespmem:v24+s4+$0x0], $0xffff  }
0x85: {  	v20 =	vadd.f32 $1.000000000e+02, v20;
	v31 =	vcvt.f32.s32 v31;
	v24 =	vadd.f32 $1.000000000e+02, v32  }
0x86: {  	v9 =	vmul.f32 $2.499949950e+02, v11;
	v38 =	vadd.s32 $0x1, v36;
	v32 =	vcvt.s32.f32 v36  }
0x87: {  	v39 =	vadd.s32 $0x1, v31;
	v11 =	vcvt.s32.f32 v31;
	v35 =	vmin.f32 v35, $1.000000000e+02  }
0x88: {  	v29 =	vmul.f32 $2.499949950e+02, v29;
	v26 =	vmin.f32 v26, $1.000000000e+02;
	v30 =	vsub.f32 v30, v32  }
0x89: {  	v20 =	vmul.f32 $2.499949950e+02, v20;
	v23 =	vsub.f32 v23, v11;
	v32 =	vmul.f32 $2.499949950e+02, v24  }
0x8a: {  	v11 =	vadd.f32 $1.000000000e+02, v27;
	v27 =	vtrunc.f32 v29;
	v24 =	vsub.f32 v28, v21  }
0x8b: {  	v37 =	vmin.f32 v37, $1.000000000e+02;
	v40 =	vtrunc.f32 v32;
	v28 =	vtrunc.f32 v25;
	v36 =	vld.idx.msk [tilespmem:v36+s4+$0x0], $0xffff  }
0x8c: {  	v26 =	vadd.f32 $1.000000000e+02, v26;
	v27 =	vcvt.f32.s32 v27;
	v35 =	vadd.f32 $1.000000000e+02, v35  }
0x8d: {  	vm1 =	vgt.f32 v5, $1.000000000e+02;
	v41 =	vmul.f32 $2.499949950e+02, v11;
	v40 =	vcvt.f32.s32 v40;
	v11 =	vld.idx.msk [tilespmem:v38+s4+$0x0], $0xffff  }
0x8e: {  	v13 =	vmin.f32 v13, $1.000000000e+02;
	v33 =	vmul.f32 $2.499949950e+02, v33;
	v38 =	vld.idx.msk [tilespmem:v39+s4+$0x0], $0xffff;
	v39 =	vcvt.s32.f32 v27  }
0x8f: {  	vm6 =	vgt.f32 v12, $1.000000000e+02;
	v42 =	vtrunc.f32 v20;
	v43 =	vmul.f32 $2.499949950e+02, v26;
	v31 =	vld.idx.msk [tilespmem:v31+s4+$0x0], $0xffff  }
0x90: {  	v13 =	vadd.f32 $1.000000000e+02, v13;
	v26 =	vtrunc.f32 v33;
	v28 =	vcvt.f32.s32 v28  }
0x91: {  	v42 =	vcvt.f32.s32 v42;
	v44 =	vtrunc.f32 v43;
	v45 =	vadd.s32 $0x1, v40  }
0x92: {  	vm7 =	vgt.f32 v14, $1.000000000e+02;
	v46 =	vcvt.f32.s32 v26;
	v47 =	vadd.s32 $0x1, v27  }
0x93: {  	v49 =	vcvt.s32.f32 v42;
	v48 =	vadd.s32 $0x1, v28;
	v11 =	vsub.f32 v11, v36  }
0x94: {  	vm2 =	vgt.f32 v1, $1.000000000e+02;
	v51 =	vmax.f32 v8, $-1.000000000e+02;
	v50 =	vcvt.s32.f32 v28  }
0x95: {  	v26 =	vmul.f32 $2.499949950e+02, v13;
	v52 =	vadd.s32 $0x1, v46;
	v30 =	vmul.f32 v30, v11  }
0x96: {  	vm3 =	vgt.f32 v19, $1.000000000e+02;
	v38 =	vsub.f32 v38, v31;
	v11 =	vsub.f32 v25, v50;
	v13 =	vld.idx.msk [tilespmem:v28+s4+$0x0], $0xffff  }
0x97: {  	v25 =	vcvt.f32.s32 v44;
	v28 =	vcvt.s32.f32 v46;
	v30 =	vadd.f32 v30, v36;
	v36 =	vld.idx.msk [tilespmem:v27+s4+$0x0], $0xffff  }
0x98: {  	v34 =	vmul.f32 $2.499949950e+02, v34;
	v23 =	vmul.f32 v23, v38;
	v27 =	vmin.f32 v51, $1.000000000e+02;
	v38 =	vld.idx.msk [tilespmem:v46+s4+$0x0], $0xffff  }
0x99: {  	v44 =	vadd.s32 $0x1, v25;
	v46 =	vtrunc.f32 v41;
	v19 =	vsel vm3, v19, v30;
	v30 =	vld.idx.msk [tilespmem:v47+s4+$0x0], $0xffff  }
0x9a: {  	v23 =	vadd.f32 v23, v31;
	v31 =	vtrunc.f32 v34;
	v46 =	vcvt.f32.s32 v46;
	[tilespmem:s28+$0x50] =	vst v19  }
0x9b: {  	vm3 =	vgt.f32 v18, $1.000000000e+02;
	v31 =	vcvt.f32.s32 v31;
	v19 =	vadd.f32 $1.000000000e+02, v37  }
0x9c: {  	v18 =	vsel vm3, v18, v23;
	v37 =	vsub.f32 v20, v49;
	v20 =	vadd.s32 $0x1, v46;
	v47 =	vld.idx.msk [tilespmem:v40+s4+$0x0], $0xffff  }
0x9d: {  	v35 =	vmul.f32 $2.499949950e+02, v35;
	v29 =	vsub.f32 v29, v39;
	v23 =	vcvt.s32.f32 v46;
	[tilespmem:s28+$0xFFFFFF80] =	vst v18;
	v18 =	vld.idx.msk [tilespmem:v25+s4+$0x0], $0xffff  }
0x9e: {  	vm3 =	vgt.f32 v2, $1.000000000e+02;
	v39 =	vld.idx.msk [tilespmem:v44+s4+$0x0], $0xffff;
	v44 =	vmul.f32 $2.499949950e+02, v19;
	v19 =	vadd.s32 $0x1, v31  }
0x9f: {  	v40 =	vcvt.s32.f32 v40;
	v23 =	vsub.f32 v41, v23;
	v30 =	vsub.f32 v30, v36;
	v49 =	vld.idx.msk [tilespmem:v52+s4+$0x0], $0xffff  }
0xa0: {  	v50 =	vtrunc.f32 v26;
	v41 =	vadd.s32 $0x1, v42;
	v51 =	vtrunc.f32 v44;
	v46 =	vld.idx.msk [tilespmem:v46+s4+$0x0], $0xffff  }
0xa1: {  	v27 =	vadd.f32 $1.000000000e+02, v27;
	v28 =	vsub.f32 v33, v28;
	v51 =	vcvt.f32.s32 v51;
	v20 =	vld.idx.msk [tilespmem:v20+s4+$0x0], $0xffff  }
0xa2: {  	vm8 =	vgt.f32 v17, $1.000000000e+02;
	v25 =	vcvt.s32.f32 v25;
	v33 =	vld.idx.msk [tilespmem:v45+s4+$0x0], $0xffff;
	v45 =	vtrunc.f32 v9  }
0xa3: {  	v32 =	vsub.f32 v32, v40;
	v40 =	vmul.f32 $2.499949950e+02, v27;
	v42 =	vld.idx.msk [tilespmem:v42+s4+$0x0], $0xffff;
	v52 =	vadd.s32 $0x1, v51  }
0xa4: {  	v50 =	vcvt.f32.s32 v50;
	v39 =	vsub.f32 v39, v18;
	v45 =	vcvt.f32.s32 v45;
	v53 =	vld.idx.msk [tilespmem:v31+s4+$0x0], $0xffff  }
0xa5: {  	v54 =	vtrunc.f32 v35;
	v43 =	vsub.f32 v43, v25;
	v25 =	vcvt.s32.f32 v51;
	v55 =	vld.idx.msk [tilespmem:v19+s4+$0x0], $0xffff  }
0xa6: {  	v56 =	vadd.s32 $0x1, v50;
	v19 =	vcvt.s32.f32 v45;
	v57 =	vadd.s32 $0x1, v45;
	v41 =	vld.idx.msk [tilespmem:v41+s4+$0x0], $0xffff  }
0xa7: {  	v58 =	vtrunc.f32 v40;
	v49 =	vsub.f32 v49, v38;
	v59 =	vsub.f32 v20, v46  }
0xa8: {  	v44 =	vsub.f32 v44, v25;
	v25 =	vmul.f32 v29, v30;
	v27 =	vld.idx.msk [tilespmem:v48+s4+$0x0], $0xffff;
	v48 =	vcvt.f32.s32 v58  }
0xa9: {  	v28 =	vmul.f32 v28, v49;
	v29 =	vsub.f32 v33, v47;
	v30 =	vmul.f32 v23, v59;
	v20 =	vld.idx.msk [tilespmem:v51+s4+$0x0], $0xffff  }
0xaa: {  	v49 =	vcvt.f32.s32 v54;
	v36 =	vadd.f32 v25, v36;
	v33 =	vadd.s32 $0x1, v48;
	v23 =	vld.idx.msk [tilespmem:v45+s4+$0x0], $0xffff  }
0xab: {  	v31 =	vcvt.s32.f32 v31;
	v28 =	vadd.f32 v28, v38;
	v30 =	vadd.f32 v30, v46;
	v25 =	vld.idx.msk [tilespmem:v50+s4+$0x0], $0xffff  }
0xac: {  	v29 =	vmul.f32 v32, v29;
	v14 =	vsel vm7, v14, v36;
	v38 =	vsub.f32 v41, v42;
	v41 =	vld.idx.msk [tilespmem:v56+s4+$0x0], $0xffff  }
0xad: {  	v22 =	vmul.f32 v22, v24;
	v36 =	vadd.s32 $0x1, v49;
	v17 =	vsel vm8, v17, v30;
	v32 =	vld.idx.msk [tilespmem:v52+s4+$0x0], $0xffff;
	[tilespmem:s28+$0x70] =	vst v14  }
0xae: {  	v24 =	vcvt.s32.f32 v50;
	v15 =	vsel vm4, v15, v28;
	v29 =	vadd.f32 v29, v47;
	v14 =	vld.idx.msk [tilespmem:v48+s4+$0x0], $0xffff;
	[tilespmem:s28+$0x30] =	vst v17  }
0xaf: {  	v22 =	vadd.f32 v22, v21;
	v28 =	vmul.f32 v37, v38;
	v17 =	vcvt.s32.f32 v48;
	v30 =	vld.idx.msk [tilespmem:v57+s4+$0x0], $0xffff  }
0xb0: {  	v21 =	vsub.f32 v26, v24;
	v24 =	vcvt.s32.f32 v49;
	v16 =	vsel vm5, v16, v29;
	v29 =	vld.idx.msk [tilespmem:v33+s4+$0x0], $0xffff;
	[tilespmem:s28+$0x0] =	vst v15  }
0xb1: {  	v22 =	vsel vm6, v12, v22;
	v26 =	vsub.f32 v34, v31;
	v31 =	vsub.f32 v55, v53;
	v15 =	vld.idx.msk [tilespmem:v49+s4+$0x0], $0xffff  }
.Ltmp0:
0xb2: {  	vm4 =	vgt.f32 v3, $1.000000000e+02;
	v12 =	vsub.f32 v40, v17;
	v17 =	vsub.f32 v35, v24;
	v24 =	vld.idx.msk [tilespmem:v36+s4+$0x0], $0xffff;
	[tilespmem:s28+$0x40] =	vst v22;
	(pc) =	sbr.rel @p1 .LBB2_3-.Ltmp0, $4  }
0xb3: {  	v26 =	vmul.f32 v26, v31;
	v33 =	vmul.f32 v43, v39;
	v22 =	vsub.f32 v32, v20;
	[tilespmem:s28+$0xFFFFFFE0] =	vst v16  }
0xb4: {  	vm5 =	vgt.f32 v10, $1.000000000e+02;
	v31 =	vadd.f32 v28, v42;
	v28 =	vsub.f32 v41, v25  }
0xb5: {  	v26 =	vadd.f32 v26, v53;
	v16 =	vmul.f32 v44, v22;
	v22 =	vsub.f32 v30, v23  }
0xb6: {  	s26 =	sadd.s32 $0x100, s26;
	v30 =	vsel vm5, v10, v31;
	v10 =	vadd.f32 v33, v18;
	v29 =	vsub.f32 v29, v14  }
0xb7: {  	v18 =	vsub.f32 v27, v13;
	v21 =	vmul.f32 v21, v28;
	v24 =	vsub.f32 v24, v15  }
0xb8: {  	v9 =	vsub.f32 v9, v19;
	v5 =	vsel vm1, v5, v26;
	v57 =	vmul.f32 v12, v29  }
0xb9: {  	[tilespmem:s24+$0xFFFFFFA0] =	vst v30;
	vm13 =	vgt.f32 v8, $1.000000000e+02;
	v58 =	vadd.f32 v21, v25;
	v17 =	vmul.f32 v17, v24  }
0xba: {  	v7 =	vsel vm0, v7, v10;
	[tilespmem:s24+$0x20] =	vst v5;
	v9 =	vmul.f32 v9, v22;
	v59 =	vadd.f32 v57, v14  }
0xbb: {  	v11 =	vmul.f32 v11, v18;
	[tilespmem:s24+$0xFFFFFFB0] =	vst v7;
	v3 =	vsel vm4, v3, v58;
	v60 =	vadd.f32 v17, v15  }
0xbc: {  	vm14 =	vgt.f32 v6, $1.000000000e+02;
	v61 =	vadd.f32 v9, v23;
	[tilespmem:s24+$0xFFFFFFC0] =	vst v3;
	v3 =	vsel vm13, v8, v59  }
0xbd: {  	p1 =	sne.s32 s21, $0x3F;
	v62 =	vadd.f32 v11, v13;
	[tilespmem:s24+$0xFFFFFFF0] =	vst v3;
	v3 =	vsel vm14, v6, v60  }
.Ltmp1:
0xbe: {  	v63 =	vadd.f32 v16, v20;
	v1 =	vsel vm2, v1, v61;
	[tilespmem:s24+$0x10] =	vst v3;
	(pc) =	sbr.rel @p1 .LBB2_6-.Ltmp1, $4  }
0xbf: {  	vm15 =	vgt.f32 v4, $1.000000000e+02;
	s25 =	sor.u32 s5, s23;
	v2 =	vsel vm3, v2, v62;
	[tilespmem:s24+$0x60] =	vst v1  }
0xc0: {  	s25 =	sshrl.u32 s25, $0x3;
	[tilespmem:s24+$0xFFFFFF90] =	vst v2;
	v1 =	vsel vm15, v4, v63  }
0xc1: {  	s31 =	sadd.s32 s6, s25;
	[tilespmem:s24+$0xFFFFFFD0] =	vst v1  }
0xc2: {  	[hbm4b:s31+s4] =	stream.linear.scatter [tilespmem:s15], [sflag:$0x3], $0x2000, $0x38;
	[tilespmem:$0x14380] =	vst v63  }
.Ltmp2:
0xc3: {  	(pc) =	sbr.rel .LBB2_7-.Ltmp2, $4  }
0xc4: {  	_ = 	snop  }
0xc5: {  	_ =	swait.ge [sflag:s16], $0x2000  }
0xc6: {  	[sflag:s16] =	ssyncset.done $0x0  }
0xc7: {  	[sflag:s16] =	ssyncadd.s32 $0xFFFFE000  }
.LBB2_6:
0xc8: {  	s23 =	sadd.s32 s23, s9  }
0xc9: {  	s23 =	sshrl.u32 s23, $0x3  }
.Ltmp3:
0xca: {  	s23 =	sadd.s32 s1, s23;
	(pc) =	sbr.rel @p0 .LBB2_8-.Ltmp3, $4  }
0xcb: {  	[tilespmem:s12], [sflag:$0x1] =	stream.linear.gather [hbm4b:s23+s4], $0x2000, $0x38;
	[tilespmem:$0x14380] =	vst v63  }
0xcc: {  	_ =	swait.ge [sflag:s16], $0x2000  }
0xcd: {  	[sflag:s16] =	ssyncset.done $0x0  }
0xce: {  	[sflag:s16] =	ssyncadd.s32 $0xFFFFE000  }
.LBB2_7:
0xcf: {  	_ =	swait.ge [sflag:s17], $0x2000  }
0xd0: {  	[sflag:s17] =	ssyncset.done $0x0  }
0xd1: {  	[sflag:s17] =	ssyncadd.s32 $0xFFFFE000  }
.LBB2_8:
0xd2: {  	s23 =	simm.s32 $0xE400  }
0xd3: {  	v13 =	vld [tilespmem:s23+$0xFFFFFF80]  }
0xd4: {  	v1 =	vld [tilespmem:s23+$0x60]  }
0xd5: {  	v19 =	vld [tilespmem:s23+$0x50]  }
0xd6: {  	v12 =	vld [tilespmem:s23+$0x40]  }
0xd7: {  	v2 =	vld [tilespmem:s23+$0xFFFFFF90]  }
0xd8: {  	v10 =	vld [tilespmem:s23+$0xFFFFFFA0]  }
0xd9: {  	v16 =	vld [tilespmem:s23+$0x70]  }
0xda: {  	v14 =	vld [tilespmem:s23+$0x0]  }
0xdb: {  	v15 =	vld [tilespmem:s23+$0xFFFFFFE0];
	_ =	sdelay $0x1  }
0xdc: {  	v17 =	vld [tilespmem:s23+$0x30];
	v3 =	vmax.f32 v13, $-1.000000000e+02  }
0xdd: {  	v5 =	vmax.f32 v12, $-1.000000000e+02;
	v6 =	vmax.f32 v2, $-1.000000000e+02;
	v8 =	vmax.f32 v19, $-1.000000000e+02  }
0xde: {  	v9 =	vmax.f32 v1, $-1.000000000e+02;
	v11 =	vmax.f32 v10, $-1.000000000e+02;
	v18 =	vmax.f32 v16, $-1.000000000e+02  }
0xdf: {  	vm5 =	vgt.f32 v14, $1.000000000e+02;
	vm4 =	vgt.f32 v15, $1.000000000e+02;
	v29 =	vmax.f32 v14, $-1.000000000e+02  }
0xe0: {  	vm6 =	vgt.f32 v12, $1.000000000e+02;
	vm7 =	vgt.f32 v16, $1.000000000e+02;
	vm2 =	vgt.f32 v1, $1.000000000e+02  }
0xe1: {  	vm3 =	vgt.f32 v19, $1.000000000e+02;
	vm8 =	vgt.f32 v17, $1.000000000e+02;
	v4 =	vmin.f32 v3, $1.000000000e+02  }
0xe2: {  	v7 =	vmin.f32 v5, $1.000000000e+02;
	v6 =	vmin.f32 v6, $1.000000000e+02;
	v9 =	vmin.f32 v9, $1.000000000e+02  }
0xe3: {  	v18 =	vmin.f32 v18, $1.000000000e+02;
	v4 =	vadd.f32 $1.000000000e+02, v4;
	v7 =	vadd.f32 $1.000000000e+02, v7  }
0xe4: {  	v3 =	vld [tilespmem:s23+$0xFFFFFFC0];
	v11 =	vmin.f32 v11, $1.000000000e+02;
	v6 =	vadd.f32 $1.000000000e+02, v6;
	v9 =	vadd.f32 $1.000000000e+02, v9  }
0xe5: {  	v5 =	vld [tilespmem:s23+$0x20];
	v28 =	vadd.f32 $1.000000000e+02, v18;
	v18 =	vmax.f32 v15, $-1.000000000e+02;
	v11 =	vadd.f32 $1.000000000e+02, v11  }
0xe6: {  	v31 =	vmin.f32 v18, $1.000000000e+02;
	v18 =	vmin.f32 v29, $1.000000000e+02;
	v20 =	vmul.f32 $2.499949950e+02, v7  }
0xe7: {  	v22 =	vmul.f32 $2.499949950e+02, v4;
	v23 =	vmul.f32 $2.499949950e+02, v6;
	v6 =	vmin.f32 v8, $1.000000000e+02  }
0xe8: {  	v32 =	vadd.f32 $1.000000000e+02, v18;
	v9 =	vmul.f32 $2.499949950e+02, v9;
	v28 =	vmul.f32 $2.499949950e+02, v28  }
0xe9: {  	v58 =	vmul.f32 $2.499949950e+02, v11;
	v21 =	vadd.f32 $1.000000000e+02, v6;
	v4 =	vtrunc.f32 v20  }
0xea: {  	v7 =	vld [tilespmem:s23+$0xFFFFFFB0];
	v8 =	vmax.f32 v3, $-1.000000000e+02;
	v25 =	vmax.f32 v5, $-1.000000000e+02;
	v30 =	vtrunc.f32 v22  }
0xeb: {  	vm1 =	vgt.f32 v5, $1.000000000e+02;
	v32 =	vmul.f32 $2.499949950e+02, v32;
	v42 =	vtrunc.f32 v58  }
0xec: {  	v24 =	vcvt.f32.s32 v4;
	v4 =	vmax.f32 v17, $-1.000000000e+02;
	v25 =	vmin.f32 v25, $1.000000000e+02  }
0xed: {  	v6 =	vld [tilespmem:s23+$0x10];
	v29 =	vmul.f32 $2.499949950e+02, v21;
	v59 =	vmin.f32 v8, $1.000000000e+02;
	v42 =	vcvt.f32.s32 v42  }
0xee: {  	v26 =	vmin.f32 v4, $1.000000000e+02;
	v25 =	vadd.f32 $1.000000000e+02, v25;
	v43 =	vtrunc.f32 v32  }
0xef: {  	v27 =	vadd.s32 $0x1, v24;
	vm0 =	vgt.f32 v7, $1.000000000e+02;
	v18 =	vcvt.s32.f32 v24  }
0xf0: {  	v35 =	vtrunc.f32 v29;
	v11 =	vadd.f32 $1.000000000e+02, v26;
	v26 =	vtrunc.f32 v28  }
0xf1: {  	v33 =	vmax.f32 v7, $-1.000000000e+02;
	v43 =	vcvt.f32.s32 v43;
	v48 =	vcvt.s32.f32 v42  }
0xf2: {  	v8 =	vld [tilespmem:s23+$0xFFFFFFF0];
	v52 =	vadd.s32 $0x1, v42;
	v34 =	vmax.f32 v6, $-1.000000000e+02;
	v33 =	vmin.f32 v33, $1.000000000e+02  }
0xf3: {  	v4 =	vld [tilespmem:s23+$0xFFFFFFD0];
	v26 =	vcvt.f32.s32 v26;
	v21 =	vsub.f32 v20, v18;
	v20 =	vcvt.f32.s32 v35  }
0xf4: {  	v34 =	vmin.f32 v34, $1.000000000e+02;
	v33 =	vadd.f32 $1.000000000e+02, v33;
	v40 =	vmul.f32 $2.499949950e+02, v11  }
0xf5: {  	v51 =	vadd.s32 $0x1, v43;
	v18 =	vld.idx.msk [tilespmem:v24+s4+$0x0], $0xffff;
	v24 =	vcvt.f32.s32 v30;
	v35 =	vadd.s32 $0x1, v20  }
0xf6: {  	v60 =	vcvt.s32.f32 v43;
	v34 =	vadd.f32 $1.000000000e+02, v34;
	v41 =	vcvt.s32.f32 v26  }
0xf7: {  	v46 =	vadd.s32 $0x1, v26;
	v50 =	vmax.f32 v8, $-1.000000000e+02;
	v38 =	vadd.s32 $0x1, v24  }
0xf8: {  	v36 =	vmax.f32 v4, $-1.000000000e+02;
	v30 =	vadd.f32 $1.000000000e+02, v31;
	v31 =	vcvt.s32.f32 v20;
	v27 =	vld.idx.msk [tilespmem:v27+s4+$0x0], $0xffff  }
0xf9: {  	v33 =	vmul.f32 $2.499949950e+02, v33;
	v32 =	vsub.f32 v32, v60;
	v36 =	vmin.f32 v36, $1.000000000e+02;
	v20 =	vld.idx.msk [tilespmem:v20+s4+$0x0], $0xffff  }
0xfa: {  	v28 =	vsub.f32 v28, v41;
	v37 =	vcvt.s32.f32 v24;
	v30 =	vmul.f32 $2.499949950e+02, v30;
	v11 =	vld.idx.msk [tilespmem:v35+s4+$0x0], $0xffff  }
0xfb: {  	v61 =	vtrunc.f32 v40;
	v29 =	vsub.f32 v29, v31;
	v36 =	vadd.f32 $1.000000000e+02, v36;
	v24 =	vld.idx.msk [tilespmem:v24+s4+$0x0], $0xffff  }
0xfc: {  	v44 =	vtrunc.f32 v33;
	v31 =	vsub.f32 v22, v37;
	v39 =	vtrunc.f32 v30;
	v38 =	vld.idx.msk [tilespmem:v38+s4+$0x0], $0xffff  }
0xfd: {  	v43 =	vld.idx.msk [tilespmem:v43+s4+$0x0], $0xffff;
	v36 =	vmul.f32 $2.499949950e+02, v36;
	v22 =	vsub.f32 v27, v18;
	v27 =	vtrunc.f32 v23  }
0xfe: {  	v51 =	vld.idx.msk [tilespmem:v51+s4+$0x0], $0xffff;
	v39 =	vcvt.f32.s32 v39;
	v35 =	vadd.f32 $1.000000000e+02, v59;
	v27 =	vcvt.f32.s32 v27  }
0xff: {  	v37 =	vsub.f32 v58, v48;
	v53 =	vtrunc.f32 v36;
	v11 =	vsub.f32 v11, v20  }
0x100: {  	v45 =	vadd.s32 $0x1, v39;
	v35 =	vmul.f32 $2.499949950e+02, v35;
	v49 =	vcvt.s32.f32 v27  }
0x101: {  	v62 =	vcvt.s32.f32 v39;
	v29 =	vmul.f32 v29, v11;
	v38 =	vsub.f32 v38, v24  }
0x102: {  	v53 =	vcvt.f32.s32 v53;
	v11 =	vsub.f32 v23, v49;
	v23 =	vcvt.f32.s32 v44  }
0x103: {  	v51 =	vsub.f32 v51, v43;
	v20 =	vadd.f32 v29, v20;
	v29 =	vmul.f32 v31, v38  }
0x104: {  	v42 =	vld.idx.msk [tilespmem:v42+s4+$0x0], $0xffff;
	v21 =	vmul.f32 v21, v22;
	v31 =	vmin.f32 v50, $1.000000000e+02;
	v38 =	vmul.f32 $2.499949950e+02, v25  }
0x105: {  	v25 =	vld.idx.msk [tilespmem:v26+s4+$0x0], $0xffff;
	v50 =	vsel vm3, v19, v20;
	v20 =	vadd.f32 v29, v24;
	v29 =	vcvt.f32.s32 v61  }
0x106: {  	v54 =	vadd.s32 $0x1, v53;
	v31 =	vadd.f32 $1.000000000e+02, v31;
	v19 =	vld.idx.msk [tilespmem:v46+s4+$0x0], $0xffff;
	vm3 =	vgt.f32 v13, $1.000000000e+02  }
0x107: {  	v52 =	vld.idx.msk [tilespmem:v52+s4+$0x0], $0xffff;
	v24 =	vtrunc.f32 v38;
	v46 =	vsel vm3, v13, v20;
	v13 =	vadd.s32 $0x1, v29  }
0x108: {  	v26 =	vadd.s32 $0x1, v23;
	v31 =	vmul.f32 $2.499949950e+02, v31;
	v41 =	vld.idx.msk [tilespmem:v23+s4+$0x0], $0xffff;
	v23 =	vcvt.s32.f32 v23  }
0x109: {  	v30 =	vsub.f32 v30, v62;
	v32 =	vmul.f32 v32, v51;
	v39 =	vld.idx.msk [tilespmem:v39+s4+$0x0], $0xffff;
	v24 =	vcvt.f32.s32 v24  }
0x10a: {  	v45 =	vld.idx.msk [tilespmem:v45+s4+$0x0], $0xffff;
	v57 =	vtrunc.f32 v31;
	v33 =	vsub.f32 v33, v23;
	v23 =	vcvt.s32.f32 v53  }
0x10b: {  	v20 =	vcvt.s32.f32 v29;
	v62 =	vcvt.f32.s32 v57;
	v63 =	vsub.f32 v19, v25;
	v29 =	vld.idx.msk [tilespmem:v29+s4+$0x0], $0xffff  }
0x10c: {  	v48 =	vadd.s32 $0x1, v24;
	v19 =	vtrunc.f32 v35;
	v36 =	vsub.f32 v36, v23;
	v60 =	vld.idx.msk [tilespmem:v13+s4+$0x0], $0xffff  }
0x10d: {  	v22 =	vld.idx.msk [tilespmem:v54+s4+$0x0], $0xffff;
	v13 =	vtrunc.f32 v9;
	v23 =	vmul.f32 v28, v63;
	v63 =	vadd.s32 $0x1, v62  }
0x10e: {  	v18 =	vadd.f32 v21, v18;
	v26 =	vld.idx.msk [tilespmem:v26+s4+$0x0], $0xffff;
	v61 =	vcvt.f32.s32 v19;
	v55 =	vcvt.f32.s32 v13  }
0x10f: {  	v34 =	vmul.f32 $2.499949950e+02, v34;
	v47 =	vadd.s32 $0x1, v27;
	v45 =	vsub.f32 v45, v39;
	v58 =	vld.idx.msk [tilespmem:v24+s4+$0x0], $0xffff  }
0x110: {  	v32 =	vadd.f32 v32, v43;
	v18 =	vsel vm6, v12, v18;
	v13 =	vld.idx.msk [tilespmem:v27+s4+$0x0], $0xffff;
	v56 =	vadd.s32 $0x1, v61  }
0x111: {  	v30 =	vmul.f32 v30, v45;
	v20 =	vsub.f32 v40, v20;
	v48 =	vld.idx.msk [tilespmem:v48+s4+$0x0], $0xffff;
	v44 =	vsub.f32 v60, v29  }
0x112: {  	v24 =	vcvt.s32.f32 v24;
	v27 =	vtrunc.f32 v34;
	v28 =	vadd.s32 $0x1, v55;
	v63 =	vld.idx.msk [tilespmem:v63+s4+$0x0], $0xffff  }
0x113: {  	v44 =	vmul.f32 v20, v44;
	v20 =	vld.idx.msk [tilespmem:v53+s4+$0x0], $0xffff;
	v53 =	vcvt.f32.s32 v27;
	v27 =	vadd.f32 v23, v25  }
0x114: {  	v26 =	vsub.f32 v26, v41;
	v19 =	vcvt.s32.f32 v55;
	v23 =	vld.idx.msk [tilespmem:v55+s4+$0x0], $0xffff;
	v55 =	vsub.f32 v52, v42  }
0x115: {  	s23 =	simm.s32 $0x12400;
	v57 =	vld.idx.msk [tilespmem:v56+s4+$0x0], $0xffff;
	v29 =	vadd.f32 v44, v29;
	v16 =	vsel vm7, v16, v27;
	v59 =	vadd.s32 $0x1, v53  }
0x116: {  	v25 =	vld.idx.msk [tilespmem:v61+s4+$0x0], $0xffff;
	v27 =	vcvt.s32.f32 v61;
	v61 =	vcvt.s32.f32 v62;
	[tilespmem:s23+$0x70] =	vst v16;
	v16 =	vsub.f32 v38, v24  }
0x117: {  	v17 =	vsel vm8, v17, v29;
	v29 =	vadd.f32 v30, v39;
	v30 =	vsel vm5, v14, v32;
	v14 =	vld.idx.msk [tilespmem:v62+s4+$0x0], $0xffff  }
0x118: {  	v60 =	vmul.f32 v37, v55;
	v24 =	vsub.f32 v48, v58;
	v62 =	vld.idx.msk [tilespmem:v28+s4+$0x0], $0xffff;
	v21 =	vsub.f32 v35, v27  }
0x119: {  	[tilespmem:s23+$0x40] =	vst v18;
	v27 =	vld.idx.msk [tilespmem:v47+s4+$0x0], $0xffff;
	v12 =	vsub.f32 v31, v61;
	v29 =	vsel vm4, v15, v29;
	v15 =	vcvt.s32.f32 v53  }
0x11a: {  	vm3 =	vgt.f32 v2, $1.000000000e+02;
	v31 =	vmul.f32 v33, v26;
	[tilespmem:s23+$0x30] =	vst v17;
	v26 =	vmul.f32 v16, v24;
	v24 =	vld.idx.msk [tilespmem:v59+s4+$0x0], $0xffff  }
0x11b: {  	vm5 =	vgt.f32 v10, $1.000000000e+02;
	[tilespmem:s23+$0x0] =	vst v30;
	v30 =	vadd.f32 v60, v42;
	v17 =	vsub.f32 v34, v15;
	v15 =	vld.idx.msk [tilespmem:v53+s4+$0x0], $0xffff  }
0x11c: {  	[tilespmem:s23+$0x50] =	vst v50;
	v22 =	vsub.f32 v22, v20;
	v28 =	vsub.f32 v57, v25;
	vm4 =	vgt.f32 v3, $1.000000000e+02  }
0x11d: {  	[tilespmem:s23+$0xFFFFFF80] =	vst v46;
	v26 =	vadd.f32 v26, v58;
	v30 =	vsel vm5, v10, v30;
	v10 =	vadd.f32 v31, v41  }
0x11e: {  	s24 =	simm.s32 $0x0;
	s25 =	simm.s32 $0xE500;
	s26 =	simm.s32 $0x12400;
	v16 =	vmul.f32 v36, v22;
	[tilespmem:s23+$0xFFFFFFE0] =	vst v29;
	v22 =	vsub.f32 v62, v23;
	v29 =	vsub.f32 v63, v14  }
.LBB2_9:
0x11f: {  	v18 =	vld [tilespmem:s25+$0xFFFFFF80];
	s24 =	sadd.s32 $0x10, s24;
	v27 =	vsub.f32 v27, v13;
	[tilespmem:s23+$0xFFFFFFA0] =	vst v30;
	v21 =	vmul.f32 v21, v28;
	v9 =	vsub.f32 v9, v19;
	s26 =	sadd.s32 $0x100, s26  }
0x120: {  	v24 =	vsub.f32 v24, v15;
	v28 =	vld [tilespmem:s25+$0x60];
	p0 =	slt.u32 s24, $0x1F0;
	v7 =	vsel vm0, v7, v10;
	v10 =	vmul.f32 v12, v29  }
0x121: {  	v5 =	vsel vm1, v5, v26;
	v19 =	vld [tilespmem:s25+$0x50];
	v11 =	vmul.f32 v11, v27;
	[tilespmem:s23+$0xFFFFFFB0] =	vst v7;
	v7 =	vadd.f32 v21, v25  }
0x122: {  	vm0 =	vgt.f32 v8, $1.000000000e+02;
	v12 =	vld [tilespmem:s25+$0x40];
	v21 =	vadd.f32 v10, v14;
	v14 =	vmul.f32 v17, v24  }
0x123: {  	v17 =	vld [tilespmem:s25+$0xFFFFFF90];
	v11 =	vadd.f32 v11, v13;
	v3 =	vsel vm4, v3, v7;
	[tilespmem:s23+$0x20] =	vst v5;
	v5 =	vmul.f32 v9, v22  }
0x124: {  	vm1 =	vgt.f32 v6, $1.000000000e+02;
	v7 =	vmax.f32 v18, $-1.000000000e+02;
	v10 =	vld [tilespmem:s25+$0xFFFFFFA0];
	[tilespmem:s23+$0xFFFFFFC0] =	vst v3;
	v3 =	vadd.f32 v14, v15  }
0x125: {  	v14 =	vld [tilespmem:s25+$0x70];
	v9 =	vsel vm3, v2, v11;
	v2 =	vsel vm0, v8, v21;
	v5 =	vadd.f32 v5, v23  }
0x126: {  	v11 =	vadd.f32 v16, v20;
	v8 =	vld [tilespmem:s25+$0xFFFFFFD0];
	[tilespmem:s23+$0xFFFFFFF0] =	vst v2;
	v16 =	vsel vm1, v6, v3  }
0x127: {  	vm0 =	vgt.f32 v4, $1.000000000e+02;
	v6 =	vmin.f32 v7, $1.000000000e+02;
	v3 =	vld [tilespmem:s25+$0xFFFFFFC0];
	[tilespmem:s23+$0x10] =	vst v16;
	v13 =	vsel vm2, v1, v5;
	v1 =	vmovc v28  }
0x128: {  	v6 =	vadd.f32 $1.000000000e+02, v6;
	v7 =	vmax.f32 v12, $-1.000000000e+02;
	v5 =	vmax.f32 v17, $-1.000000000e+02;
	v15 =	vld [tilespmem:s25+$0x0];
	[tilespmem:s23+$0x60] =	vst v13;
	v2 =	vmovc v17  }
0x129: {  	v22 =	vsel vm0, v4, v11;
	v7 =	vmin.f32 v7, $1.000000000e+02;
	v13 =	vmax.f32 v19, $-1.000000000e+02;
	v17 =	vld [tilespmem:s25+$0x30];
	[tilespmem:s23+$0xFFFFFF90] =	vst v9  }
0x12a: {  	v11 =	vmax.f32 v1, $-1.000000000e+02;
	v9 =	vmin.f32 v5, $1.000000000e+02;
	v7 =	vadd.f32 $1.000000000e+02, v7;
	v5 =	vld [tilespmem:s25+$0x20];
	[tilespmem:s23+$0xFFFFFFD0] =	vst v22;
	s23 =	smov.u32 s26  }
0x12b: {  	v20 =	vmax.f32 v10, $-1.000000000e+02;
	v9 =	vadd.f32 $1.000000000e+02, v9;
	v21 =	vmax.f32 v14, $-1.000000000e+02;
	v16 =	vld [tilespmem:s25+$0xFFFFFFE0];
	v4 =	vmovc v8  }
0x12c: {  	v11 =	vmin.f32 v11, $1.000000000e+02;
	v22 =	vmul.f32 $2.499949950e+02, v7;
	v21 =	vmin.f32 v21, $1.000000000e+02;
	v8 =	vld [tilespmem:s25+$0xFFFFFFF0]  }
0x12d: {  	v23 =	vmul.f32 $2.499949950e+02, v6;
	v11 =	vadd.f32 $1.000000000e+02, v11;
	v7 =	vld [tilespmem:s25+$0xFFFFFFB0];
	vm4 =	vgt.f32 v15, $1.000000000e+02  }
0x12e: {  	v25 =	vmul.f32 $2.499949950e+02, v9;
	v9 =	vmin.f32 v13, $1.000000000e+02;
	v6 =	vtrunc.f32 v22  }
0x12f: {  	v13 =	vmax.f32 v3, $-1.000000000e+02;
	v9 =	vadd.f32 $1.000000000e+02, v9;
	v24 =	vcvt.f32.s32 v6  }
0x130: {  	v27 =	vmax.f32 v17, $-1.000000000e+02;
	v26 =	vmax.f32 v5, $-1.000000000e+02;
	vm5 =	vgt.f32 v16, $1.000000000e+02  }
0x131: {  	v29 =	vadd.f32 $1.000000000e+02, v21;
	v27 =	vmin.f32 v27, $1.000000000e+02;
	v28 =	vadd.s32 $0x1, v24;
	v6 =	vld [tilespmem:s25+$0x10]  }
0x132: {  	v30 =	vmax.f32 v15, $-1.000000000e+02;
	v21 =	vmax.f32 v16, $-1.000000000e+02;
	vm0 =	vgt.f32 v7, $1.000000000e+02  }
0x133: {  	v20 =	vmin.f32 v20, $1.000000000e+02;
	v31 =	vtrunc.f32 v23;
	v32 =	vmin.f32 v21, $1.000000000e+02  }
0x134: {  	v26 =	vmin.f32 v26, $1.000000000e+02;
	v21 =	vmin.f32 v30, $1.000000000e+02;
	v30 =	vmul.f32 $2.499949950e+02, v9  }
0x135: {  	v34 =	vadd.f32 $1.000000000e+02, v26;
	v9 =	vcvt.s32.f32 v24;
	v33 =	vadd.f32 $1.000000000e+02, v21  }
0x136: {  	v26 =	vmax.f32 v7, $-1.000000000e+02;
	v36 =	vtrunc.f32 v30;
	v35 =	vmax.f32 v6, $-1.000000000e+02;
	v28 =	vld.idx.msk [tilespmem:v28+s4+$0x0], $0xffff  }
0x137: {  	v37 =	vmax.f32 v4, $-1.000000000e+02;
	v22 =	vsub.f32 v22, v9;
	v36 =	vcvt.f32.s32 v36;
	v21 =	vld.idx.msk [tilespmem:v24+s4+$0x0], $0xffff  }
0x138: {  	v20 =	vadd.f32 $1.000000000e+02, v20;
	v31 =	vcvt.f32.s32 v31;
	v24 =	vadd.f32 $1.000000000e+02, v32  }
0x139: {  	v9 =	vmul.f32 $2.499949950e+02, v11;
	v38 =	vadd.s32 $0x1, v36;
	v32 =	vcvt.s32.f32 v36  }
0x13a: {  	v39 =	vadd.s32 $0x1, v31;
	v11 =	vcvt.s32.f32 v31;
	v35 =	vmin.f32 v35, $1.000000000e+02  }
0x13b: {  	v29 =	vmul.f32 $2.499949950e+02, v29;
	v26 =	vmin.f32 v26, $1.000000000e+02;
	v30 =	vsub.f32 v30, v32  }
0x13c: {  	v20 =	vmul.f32 $2.499949950e+02, v20;
	v23 =	vsub.f32 v23, v11;
	v32 =	vmul.f32 $2.499949950e+02, v24  }
0x13d: {  	v11 =	vadd.f32 $1.000000000e+02, v27;
	v27 =	vtrunc.f32 v29;
	v24 =	vsub.f32 v28, v21  }
0x13e: {  	v37 =	vmin.f32 v37, $1.000000000e+02;
	v40 =	vtrunc.f32 v32;
	v28 =	vtrunc.f32 v25;
	v36 =	vld.idx.msk [tilespmem:v36+s4+$0x0], $0xffff  }
0x13f: {  	v26 =	vadd.f32 $1.000000000e+02, v26;
	v27 =	vcvt.f32.s32 v27;
	v35 =	vadd.f32 $1.000000000e+02, v35  }
0x140: {  	vm1 =	vgt.f32 v5, $1.000000000e+02;
	v41 =	vmul.f32 $2.499949950e+02, v11;
	v40 =	vcvt.f32.s32 v40;
	v11 =	vld.idx.msk [tilespmem:v38+s4+$0x0], $0xffff  }
0x141: {  	v13 =	vmin.f32 v13, $1.000000000e+02;
	v33 =	vmul.f32 $2.499949950e+02, v33;
	v38 =	vld.idx.msk [tilespmem:v39+s4+$0x0], $0xffff;
	v39 =	vcvt.s32.f32 v27  }
0x142: {  	vm6 =	vgt.f32 v12, $1.000000000e+02;
	v42 =	vtrunc.f32 v20;
	v43 =	vmul.f32 $2.499949950e+02, v26;
	v31 =	vld.idx.msk [tilespmem:v31+s4+$0x0], $0xffff  }
0x143: {  	v13 =	vadd.f32 $1.000000000e+02, v13;
	v26 =	vtrunc.f32 v33;
	v28 =	vcvt.f32.s32 v28  }
0x144: {  	v42 =	vcvt.f32.s32 v42;
	v44 =	vtrunc.f32 v43;
	v45 =	vadd.s32 $0x1, v40  }
0x145: {  	vm7 =	vgt.f32 v14, $1.000000000e+02;
	v46 =	vcvt.f32.s32 v26;
	v47 =	vadd.s32 $0x1, v27  }
0x146: {  	v49 =	vcvt.s32.f32 v42;
	v48 =	vadd.s32 $0x1, v28;
	v11 =	vsub.f32 v11, v36  }
0x147: {  	vm2 =	vgt.f32 v1, $1.000000000e+02;
	v51 =	vmax.f32 v8, $-1.000000000e+02;
	v50 =	vcvt.s32.f32 v28  }
0x148: {  	v26 =	vmul.f32 $2.499949950e+02, v13;
	v52 =	vadd.s32 $0x1, v46;
	v30 =	vmul.f32 v30, v11  }
0x149: {  	vm3 =	vgt.f32 v19, $1.000000000e+02;
	v38 =	vsub.f32 v38, v31;
	v11 =	vsub.f32 v25, v50;
	v13 =	vld.idx.msk [tilespmem:v28+s4+$0x0], $0xffff  }
0x14a: {  	v25 =	vcvt.f32.s32 v44;
	v28 =	vcvt.s32.f32 v46;
	v30 =	vadd.f32 v30, v36;
	v36 =	vld.idx.msk [tilespmem:v27+s4+$0x0], $0xffff  }
0x14b: {  	v34 =	vmul.f32 $2.499949950e+02, v34;
	v23 =	vmul.f32 v23, v38;
	v27 =	vmin.f32 v51, $1.000000000e+02;
	v38 =	vld.idx.msk [tilespmem:v46+s4+$0x0], $0xffff  }
0x14c: {  	v44 =	vadd.s32 $0x1, v25;
	v46 =	vtrunc.f32 v41;
	v19 =	vsel vm3, v19, v30;
	v30 =	vld.idx.msk [tilespmem:v47+s4+$0x0], $0xffff  }
0x14d: {  	v23 =	vadd.f32 v23, v31;
	v31 =	vtrunc.f32 v34;
	v46 =	vcvt.f32.s32 v46;
	[tilespmem:s26+$0x50] =	vst v19  }
0x14e: {  	vm3 =	vgt.f32 v18, $1.000000000e+02;
	v31 =	vcvt.f32.s32 v31;
	v19 =	vadd.f32 $1.000000000e+02, v37  }
0x14f: {  	v18 =	vsel vm3, v18, v23;
	v37 =	vsub.f32 v20, v49;
	v20 =	vadd.s32 $0x1, v46;
	v47 =	vld.idx.msk [tilespmem:v40+s4+$0x0], $0xffff  }
0x150: {  	v35 =	vmul.f32 $2.499949950e+02, v35;
	v29 =	vsub.f32 v29, v39;
	v23 =	vcvt.s32.f32 v46;
	[tilespmem:s26+$0xFFFFFF80] =	vst v18;
	v18 =	vld.idx.msk [tilespmem:v25+s4+$0x0], $0xffff  }
0x151: {  	vm3 =	vgt.f32 v2, $1.000000000e+02;
	v39 =	vld.idx.msk [tilespmem:v44+s4+$0x0], $0xffff;
	v44 =	vmul.f32 $2.499949950e+02, v19;
	v19 =	vadd.s32 $0x1, v31  }
0x152: {  	v40 =	vcvt.s32.f32 v40;
	v23 =	vsub.f32 v41, v23;
	v30 =	vsub.f32 v30, v36;
	v49 =	vld.idx.msk [tilespmem:v52+s4+$0x0], $0xffff  }
0x153: {  	v50 =	vtrunc.f32 v26;
	v41 =	vadd.s32 $0x1, v42;
	v51 =	vtrunc.f32 v44;
	v46 =	vld.idx.msk [tilespmem:v46+s4+$0x0], $0xffff  }
0x154: {  	v27 =	vadd.f32 $1.000000000e+02, v27;
	v28 =	vsub.f32 v33, v28;
	v51 =	vcvt.f32.s32 v51;
	v20 =	vld.idx.msk [tilespmem:v20+s4+$0x0], $0xffff  }
0x155: {  	vm8 =	vgt.f32 v17, $1.000000000e+02;
	v25 =	vcvt.s32.f32 v25;
	v33 =	vld.idx.msk [tilespmem:v45+s4+$0x0], $0xffff;
	v45 =	vtrunc.f32 v9  }
0x156: {  	v32 =	vsub.f32 v32, v40;
	v40 =	vmul.f32 $2.499949950e+02, v27;
	v42 =	vld.idx.msk [tilespmem:v42+s4+$0x0], $0xffff;
	v52 =	vadd.s32 $0x1, v51  }
0x157: {  	v50 =	vcvt.f32.s32 v50;
	v39 =	vsub.f32 v39, v18;
	v45 =	vcvt.f32.s32 v45;
	v53 =	vld.idx.msk [tilespmem:v31+s4+$0x0], $0xffff  }
0x158: {  	v54 =	vtrunc.f32 v35;
	v43 =	vsub.f32 v43, v25;
	v25 =	vcvt.s32.f32 v51;
	v55 =	vld.idx.msk [tilespmem:v19+s4+$0x0], $0xffff  }
0x159: {  	v56 =	vadd.s32 $0x1, v50;
	v19 =	vcvt.s32.f32 v45;
	v57 =	vadd.s32 $0x1, v45;
	v41 =	vld.idx.msk [tilespmem:v41+s4+$0x0], $0xffff  }
0x15a: {  	v58 =	vtrunc.f32 v40;
	v49 =	vsub.f32 v49, v38;
	v59 =	vsub.f32 v20, v46  }
0x15b: {  	v44 =	vsub.f32 v44, v25;
	v25 =	vmul.f32 v29, v30;
	v27 =	vld.idx.msk [tilespmem:v48+s4+$0x0], $0xffff;
	v48 =	vcvt.f32.s32 v58  }
0x15c: {  	v28 =	vmul.f32 v28, v49;
	v29 =	vsub.f32 v33, v47;
	v30 =	vmul.f32 v23, v59;
	v20 =	vld.idx.msk [tilespmem:v51+s4+$0x0], $0xffff  }
0x15d: {  	v49 =	vcvt.f32.s32 v54;
	v36 =	vadd.f32 v25, v36;
	v33 =	vadd.s32 $0x1, v48;
	v23 =	vld.idx.msk [tilespmem:v45+s4+$0x0], $0xffff  }
0x15e: {  	v31 =	vcvt.s32.f32 v31;
	v28 =	vadd.f32 v28, v38;
	v30 =	vadd.f32 v30, v46;
	v25 =	vld.idx.msk [tilespmem:v50+s4+$0x0], $0xffff  }
0x15f: {  	v29 =	vmul.f32 v32, v29;
	v14 =	vsel vm7, v14, v36;
	v38 =	vsub.f32 v41, v42;
	v41 =	vld.idx.msk [tilespmem:v56+s4+$0x0], $0xffff  }
0x160: {  	v22 =	vmul.f32 v22, v24;
	v36 =	vadd.s32 $0x1, v49;
	v17 =	vsel vm8, v17, v30;
	v32 =	vld.idx.msk [tilespmem:v52+s4+$0x0], $0xffff;
	[tilespmem:s26+$0x70] =	vst v14  }
0x161: {  	v24 =	vcvt.s32.f32 v50;
	v15 =	vsel vm4, v15, v28;
	v29 =	vadd.f32 v29, v47;
	v14 =	vld.idx.msk [tilespmem:v48+s4+$0x0], $0xffff;
	[tilespmem:s26+$0x30] =	vst v17  }
0x162: {  	v22 =	vadd.f32 v22, v21;
	v28 =	vmul.f32 v37, v38;
	v17 =	vcvt.s32.f32 v48;
	v30 =	vld.idx.msk [tilespmem:v57+s4+$0x0], $0xffff  }
0x163: {  	v21 =	vsub.f32 v26, v24;
	v24 =	vcvt.s32.f32 v49;
	v16 =	vsel vm5, v16, v29;
	v29 =	vld.idx.msk [tilespmem:v33+s4+$0x0], $0xffff;
	[tilespmem:s26+$0x0] =	vst v15  }
0x164: {  	v22 =	vsel vm6, v12, v22;
	v26 =	vsub.f32 v34, v31;
	v31 =	vsub.f32 v55, v53;
	v15 =	vld.idx.msk [tilespmem:v49+s4+$0x0], $0xffff  }
.Ltmp4:
0x165: {  	vm4 =	vgt.f32 v3, $1.000000000e+02;
	v12 =	vsub.f32 v40, v17;
	v17 =	vsub.f32 v35, v24;
	v24 =	vld.idx.msk [tilespmem:v36+s4+$0x0], $0xffff;
	[tilespmem:s26+$0x40] =	vst v22;
	(pc) =	sbr.rel @p0 .LBB2_9-.Ltmp4, $4  }
0x166: {  	v26 =	vmul.f32 v26, v31;
	v33 =	vmul.f32 v43, v39;
	v22 =	vsub.f32 v32, v20;
	[tilespmem:s26+$0xFFFFFFE0] =	vst v16  }
0x167: {  	vm5 =	vgt.f32 v10, $1.000000000e+02;
	v31 =	vadd.f32 v28, v42;
	v28 =	vsub.f32 v41, v25  }
0x168: {  	v26 =	vadd.f32 v26, v53;
	v16 =	vmul.f32 v44, v22;
	v22 =	vsub.f32 v30, v23  }
0x169: {  	s25 =	sadd.s32 $0x100, s25;
	v30 =	vsel vm5, v10, v31;
	v10 =	vadd.f32 v33, v18;
	v29 =	vsub.f32 v29, v14  }
0x16a: {  	v18 =	vsub.f32 v27, v13;
	v21 =	vmul.f32 v21, v28;
	v24 =	vsub.f32 v24, v15  }
0x16b: {  	v9 =	vsub.f32 v9, v19;
	v5 =	vsel vm1, v5, v26;
	v57 =	vmul.f32 v12, v29  }
0x16c: {  	[tilespmem:s23+$0xFFFFFFA0] =	vst v30;
	vm13 =	vgt.f32 v8, $1.000000000e+02;
	v58 =	vadd.f32 v21, v25;
	v17 =	vmul.f32 v17, v24  }
0x16d: {  	v7 =	vsel vm0, v7, v10;
	[tilespmem:s23+$0x20] =	vst v5;
	v9 =	vmul.f32 v9, v22;
	v59 =	vadd.f32 v57, v14  }
0x16e: {  	v11 =	vmul.f32 v11, v18;
	[tilespmem:s23+$0xFFFFFFB0] =	vst v7;
	v3 =	vsel vm4, v3, v58;
	v60 =	vadd.f32 v17, v15  }
0x16f: {  	vm14 =	vgt.f32 v6, $1.000000000e+02;
	s21 =	sadd.s32 $0x1, s21;
	v61 =	vadd.f32 v9, v23;
	[tilespmem:s23+$0xFFFFFFC0] =	vst v3;
	v3 =	vsel vm13, v8, v59  }
0x170: {  	p0 =	sne.s32 s21, $0x40;
	v62 =	vadd.f32 v11, v13;
	[tilespmem:s23+$0xFFFFFFF0] =	vst v3;
	v3 =	vsel vm14, v6, v60  }
.Ltmp5:
0x171: {  	v63 =	vadd.f32 v16, v20;
	v1 =	vsel vm2, v1, v61;
	[tilespmem:s23+$0x10] =	vst v3;
	(pc) =	sbr.rel @p0 .LBB2_2-.Ltmp5, $4  }
0x172: {  	vm15 =	vgt.f32 v4, $1.000000000e+02;
	v2 =	vsel vm3, v2, v62;
	[tilespmem:s23+$0x60] =	vst v1  }
0x173: {  	[tilespmem:s23+$0xFFFFFF90] =	vst v2;
	v1 =	vsel vm15, v4, v63  }
0x174: {  	s22 =	sadd.s32 s6, s22;
	[tilespmem:s23+$0xFFFFFFD0] =	vst v1  }
0x175: {  	[hbm4b:s22+s4] =	stream.linear.scatter [tilespmem:s18], [sflag:$0x4], $0x2000, $0x38;
	[tilespmem:$0x14380] =	vst v63  }
0x176: {  	s20 =	sadd.s32 $0x1, s20  }
0x177: {  	_ =	swait.ge [sflag:s19], $0x2000;
	p0 =	sne.s32 s20, s10  }
.Ltmp6:
0x178: {  	[sflag:s19] =	ssyncset.done $0x0;
	(pc) =	sbr.rel @p0 .LBB2_1-.Ltmp6, $4  }
0x179: {  	[sflag:s19] =	ssyncadd.s32 $0xFFFFE000  }
0x17a: {  	_ =	swait.ge [sflag:s17], $0x2000  }
0x17b: {  	[sflag:s17] =	ssyncset.done $0x0  }
0x17c: {  	[sflag:s17] =	ssyncadd.s32 $0xFFFFE000  }
0x17d: {  	_ =	sfence.sel $0x180000  }
0x17e: {  	[bflag:$0x0] =	sbarrier.arrive $0xFFFF  }
0x17f: {  	p0 =	sne.s32 s3, $0x0;
	_ =	strace $0x9000004A  }
0x180: {  	s0 =	sadd.s32 @!p0 $0x100000, s0;
	[bflag:$0x2] =	sbarrier.arrive $0xFFFF  }
0x181: {  	[sflag:s0] =	ssyncadd.tile.s32 @!p0 $0x1;
	_ =	shalt  }
.Lfunc_end2:
_tile_overlayer_lowered:
.L_overlay_start_2:
0x182: {  	(tag) =	ssettag $0x2  }
0x183: {  	s0 =	rddreg [dreg:$0x0];
	s2 =	stileid.u32  }
0x184: {  	s1 =	rddreg [dreg:$0x1];
	p0 =	sne.s32 s2, $0x0  }
0x185: {  	s3 =	rddreg [dreg:$0x2];
	[bflag:$0x3] =	sbarrier.arrive $0xFFFF;
	s2 =	simm.s32 @!p0 $0x1C05  }
0x186: {  	[timem:s3], [sflag:s2] =	dma.local @!p0 [hbm:s0], s1  }
0x187: {  	s0 =	simm.s32 @!p0 $0x5  }
0x188: {  	_ =	swait.ge @!p0 [sflag:s0], s1  }
0x189: {  	s1 =	ssub.s32 @!p0 $0x0, s1;
	[sflag:s0] =	ssyncset.done @!p0 $0x0  }
0x18a: {  	[sflag:s0] =	ssyncadd.s32 @!p0 s1  }
0x18b: {  	[bflag:$0x3] =	sbarrier.arrive $0xFFFF  }
0x18c: {  	_ =	shalt  }

// kernel: sparse-core-data-format-call.cloned.1.call-start
scs
called_computation_lowered:
.L_overlay_start_0:
0x0: {  	s2 =	sld [smem:$0x3FD9]  }
0x1: {  	s3 =	sld [smem:$0x3FFE];
	_ =	sdelay $0x1  }
0x2: {  	s1 =	srdreg.scid  }
0x3: {  	s0 =	sand.u32 $0x1, s1  }
0x4: {  	s19 =	sshll.u32 s0, $0xA;
	s2 =	sadd.s32 s3, s2  }
0x5: {  	s2 =	sadd.s32 s2, s19  }
0x6: {  	[smem:$0x3FC6] =	sst s2  }
0x7: {  	_ = 	snop  }
0x8: {  	s2 =	sld [smem:$0x3FC9]  }
0x9: {  	s20 =	sld [smem:$0x3FD0];
	(tm) =	ssettm $0x1  }
0xa: {  	s4 =	sld [smem:$0x3FFB];
	_ =	sdelay $0x3  }
0xb: {  	_ =	strace s4  }
0xc: {  	s4 =	sld [smem:$0x3FFC];
	_ =	sdelay $0x3  }
0xd: {  	_ =	strace s4  }
0xe: {  	s4 =	sld [smem:$0x3FFD];
	_ =	sdelay $0x3  }
0xf: {  	_ =	strace s4  }
0x10: {  	_ =	strace $0x8FFFFFFF  }
0x11: {  	s21 =	sld [smem:$0x3FDB];
	_ =	sdelay $0x1  }
0x12: {  	s5 =	simm.s32 $_scs_section_size  }
0x13: {  	s6 =	simm.s32 $_size__tile_overlayer_lowered;
	s7 =	simm.s32 $_tile_overlayer_lowered  }
0x14: {  	s24 =	simm.s32 $0x1BFF;
	s23 =	sshll.u32 s7, $0x1;
	s4 =	sadd.s32 s5, s21  }
0x15: {  	s8 =	simm.s32 $0x0;
	s22 =	sshll.u32 s6, $0x1;
	s6 =	sadd.s32 s23, s4  }
0x16: {  	[timem:s8], [sflag:s24] =	dma.local [hbm:s6], s22  }
0x17: {  	_ =	swait.ge [sflag:s24], s22  }
0x18: {  	s5 =	ssub.s32 $0x0, s22;
	[sflag:s24] =	ssyncset.done $0x0  }
0x19: {  	[sflag:s24] =	ssyncadd.s32 s5;
	_ =	sdelay $0x1  }
0x1a: {  	s25 =	simm.s32 $0x1B8B  }
0x1b: {  	_ =	swait.ge [sflag:s25], $0x1  }
0x1c: {  	[sflag:s25] =	ssyncset.done $0x0  }
0x1d: {  	s26 =	simm.s32 $0x1B8E;
	[sflag:s25] =	ssyncadd.s32 $0xFFFFFFFF  }
0x1e: {  	s27 =	simm.s32 $execute0_lowered;
	[smem:$0x3FD2] =	sst s26  }
0x1f: {  	s5 =	sshll.u32 s27, $0x1;
	_ =	strace $0x80000046;
	[dreg:$0x1] =	wrdreg $0xFFFFFFFF  }
0x20: {  	s28 =	simm.s32 $_size_execute0_lowered;
	s4 =	sadd.s32 s4, s5;
	[dreg:$0x0] =	wrdreg $0x0  }
0x21: {  	s5 =	sshll.u32 s28, $0x1;
	[dreg:$0x2] =	wrdreg s4  }
0x22: {  	[dreg:$0x3] =	wrdreg s5  }
0x23: {  	[dreg:$0x4] =	wrdreg $0xC0  }
0x24: {  	_ =	task [dreg:s8], $0x5FFFF  }
0x25: {  	[dreg:$0x1] =	wrdreg $0xFFFFFFFF  }
0x26: {  	[dreg:$0x0] =	wrdreg $0x60  }
0x27: {  	[dreg:$0x2] =	wrdreg s2  }
0x28: {  	[dreg:$0x3] =	wrdreg s20  }
0x29: {  	[dreg:$0x4] =	wrdreg $0x9  }
0x2a: {  	_ =	task.clear_ibuf [dreg:s8], $0x5FFFF;
	_ =	strace $0x90000046  }
0x2b: {  	s29 =	simm.s32 $0x9;
	_ =	strace $0x80000048  }
0x2c: {  	_ =	swait.ge [sflag:s29], $0x1  }
0x2d: {  	[sflag:s29] =	ssyncadd.s32 $0xFFFFFFFF  }
0x2e: {  	_ =	strace $0x90000048  }
0x2f: {  	_ =	sfence  }
0x30: {  	s30 =	sld [smem:$0x0];
	_ =	sdelay $0x2  }
0x31: {  	s31 =	sshll.u32 s1, $0xD;
	s1 =	sshrl.u32 s1, $0x2  }
0x32: {  	s3 =	sand.u32 $0x4000, s31;
	s1 =	sadd.s32 s1, s30  }
0x33: {  	s0 =	sor.u32 s3, s0;
	s1 =	sshll.u32 s1, $0x11  }
0x34: {  	s0 =	sor.u32 s1, s0  }
0x35: {  	s0 =	sadd.s32 $0x8F2B, s0  }
0x36: {  	[sflag:s0] =	ssyncadd.remote.s32 $0x1  }
0x37: {  	_ =	sfence.sel $0xFFFF  }
0x38: {  	[dreg:$0x0] =	wrdreg $0xFFFFFFFF;
	(pc) =	sbr.abs _section_cstart, $3  }
0x39: {  	[dreg:$0x1] =	wrdreg $0xFFFFFFFF  }
0x3a: {  	_ =	task.clear_ibuf [dreg:s8], $0x2FFFF;
	_ =	strace $0x9FFFFFFF  }
0x3b: {  	(tm) =	ssettm $0x7FFFFFFF  }
tec
execute0_lowered:
.L_overlay_start_1:
0x0: {  	(tag) =	ssettag $0x1  }
0x1: {  	s2 =	rddreg [dreg:$0x0]  }
0x2: {  	s3 =	rddreg [dreg:$0x1]  }
0x3: {  	s0 =	rddreg [dreg:$0x2];
	_ =	strace $0x80000047  }
0x4: {  	s4 =	srdreg.scid;
	s1 =	stileid.u32;
	s6 =	simm.s32 $0x2  }
.Ltmp0:
0x5: {  	s11 =	simm.s32 $0x0;
	p0 =	por $0x0, $0x0;
	(pc) =	sbr.rel .LBB1_1-.Ltmp0, $4  }
0x6: {  	s7 =	simm.s32 $0x1000;
	s12 =	simm.s32 $0x0;
	s5 =	sshll.u32 s4, $0x4  }
0x7: {  	s9 =	simm.s32 $0x0;
	s4 =	simm.s32 $0x1;
	s5 =	sand.u32 $0x10, s5  }
0x8: {  	s8 =	simm.s32 $0x0;
	[sflag:s4] =	ssyncpa.u1 $0x0;
	s5 =	sor.u32 s1, s5  }
0x9: {  	[sflag:s6] =	ssyncpa.u1 $0x0;
	s6 =	simm.s32 $0x800;
	s10 =	smov.u32 s5  }
.LBB1_7:
0xa: {  	s13 =	sadd.s32 $0x10, s9  }
0xb: {  	s11 =	sadd.s32 $0x20, s10;
	s15 =	smov.u32 s10;
	p2 =	sgt.s32 s13, $0x1F  }
0xc: {  	p1 =	slt.u32 s8, $0x2;
	s15 =	smov.u32 @p2 s11  }
0xd: {  	s8 =	sadd.s32 $0x1, s8;
	s13 =	simm.s32 @p2 $0x0;
	p2 =	sgt.s32 s15, $0x3FF  }
0xe: {  	s15 =	smov.u32 @p2 s5;
	p2 =	sne.s32 s8, $0x42  }
.Ltmp1:
0xf: {  	_ = 	snop;
	(pc) =	sbr.rel @!p2 .LBB1_8-.Ltmp1, $4  }
0x10: {  	s14 =	simm.s32 @!p1 $0x2  }
0x11: {  	s12 =	smov.u32 s10;
	_ =	swait.ge @!p1 [sflag:s14], $0x4000  }
0x12: {  	p0 =	por !p0, !p0;
	s11 =	smov.u32 s9;
	[sflag:s14] =	ssyncset.done @!p1 $0x0  }
0x13: {  	s9 =	smov.u32 s13;
	[sflag:s14] =	ssyncadd.s32 @!p1 $0xFFFFC000;
	s10 =	smov.u32 s15  }
.LBB1_1:
0x14: {  	p1 =	sgt.u32 s8, $0x3F  }
0x15: {  	s13 =	sxor.u32 @!p1 $0xFFFFFFFF, s8;
	s14 =	sshll.u32 @!p1 s10, $0xC  }
0x16: {  	s15 =	sshll.u32 @!p1 s9, $0x7;
	s13 =	sshll.u32 @!p1 s13, $0xE;
	s14 =	sadd.s32 @!p1 s2, s14  }
0x17: {  	s13 =	sand.u32 @!p1 $0x4000, s13;
	s14 =	sadd.s32 @!p1 s15, s14;
	s15 =	simm.s32 @!p1 $0x0  }
0x18: {  	[tilespmem:s13], [sflag:$0x1] =	stream.linear.gather @!p1 [hbm4b:s14+s15], $0x4000, $0x38;
	[tilespmem:$0x10000] =	vst v63  }
0x19: {  	p1 =	seq.s32 s8, $0x0  }
0x1a: {  	p2 =	seq.s32 @!p1 s8, $0x41  }
0x1b: {  	p1 =	por p1, p2  }
.Ltmp2:
0x1c: {  	_ = 	snop;
	(pc) =	sbr.rel @p1 .LBB1_7-.Ltmp2, $1  }
0x1d: {  	_ =	sdelay $0x3  }
0x1e: {  	s13 =	simm.s32 $0x1;
	_ =	swait.ge [sflag:s4], $0x4000;
	s16 =	sshll.u32 s8, $0xE  }
0x1f: {  	s13 =	simm.s32 @!p0 $0x0;
	[sflag:s4] =	ssyncset.done $0x0;
	s31 =	sand.u32 $0x4000, s16  }
0x20: {  	s16 =	simm.s32 $0x0;
	s14 =	sshll.u32 s13, $0xE;
	[sflag:s4] =	ssyncadd.s32 $0xFFFFC000  }
0x21: {  	s13 =	sor.u32 $0x8040, s14;
	s15 =	sor.u32 $0x40, s14;
	s14 =	sor.u32 $0x8000, s31  }
.LBB1_3:
0x22: {  	v0 =	vmov s15;
	_ =	sdelay $0x3  }
0x23: {  	s18 =	simm.s32 $0x0  }
0x24: {  	v6 =	vld.idx.msk [tilespmem:v0+s18+$0x30 ss:$0x1], $0xffff  }
0x25: {  	v7 =	vld.idx.msk [tilespmem:v0+s18+$0xFFFFFFC0 ss:$0x1], $0xffff  }
0x26: {  	v5 =	vld.idx.msk [tilespmem:v0+s18+$0xFFFFFFD0 ss:$0x1], $0xffff  }
0x27: {  	v4 =	vld.idx.msk [tilespmem:v0+s18+$0xFFFFFFE0 ss:$0x1], $0xffff  }
0x28: {  	v3 =	vld.idx.msk [tilespmem:v0+s18+$0xFFFFFFF0 ss:$0x1], $0xffff  }
0x29: {  	v1 =	vld.idx.msk [tilespmem:v0+s18+$0x0 ss:$0x1], $0xffff  }
0x2a: {  	v2 =	vld.idx.msk [tilespmem:v0+s18+$0x10 ss:$0x1], $0xffff;
	[tilespmem:s13+$0x30] =	vst v6  }
0x2b: {  	s17 =	simm.s32 $0x80;
	s19 =	simm.s32 $0x400;
	[tilespmem:s13+$0xFFFFFFC0] =	vst v7;
	v6 =	vld.idx.msk [tilespmem:v0+s18+$0x20 ss:$0x1], $0xffff;
	s18 =	smov.u32 s13  }
.LBB1_4:
0x2c: {  	p1 =	sne.s32 s19, $0xE00;
	v7 =	vld.idx.msk [tilespmem:v0+s17+$0x30 ss:$0x1], $0xffff;
	[tilespmem:s18+$0xFFFFFFD0] =	vst v5  }
0x2d: {  	v8 =	vld.idx.msk [tilespmem:v0+s17+$0xFFFFFFC0 ss:$0x1], $0xffff;
	[tilespmem:s18+$0xFFFFFFE0] =	vst v4  }
0x2e: {  	v5 =	vld.idx.msk [tilespmem:v0+s17+$0xFFFFFFD0 ss:$0x1], $0xffff;
	[tilespmem:s18+$0xFFFFFFF0] =	vst v3  }
.Ltmp3:
0x2f: {  	v4 =	vld.idx.msk [tilespmem:v0+s17+$0xFFFFFFE0 ss:$0x1], $0xffff;
	[tilespmem:s18+$0x0] =	vst v1;
	(pc) =	sbr.rel @p1 .LBB1_4-.Ltmp3, $4  }
0x30: {  	v3 =	vld.idx.msk [tilespmem:v0+s17+$0xFFFFFFF0 ss:$0x1], $0xffff;
	[tilespmem:s18+$0x10] =	vst v2  }
0x31: {  	v1 =	vld.idx.msk [tilespmem:v0+s17+$0x0 ss:$0x1], $0xffff;
	[tilespmem:s18+$0x20] =	vst v6;
	s18 =	sadd.s32 $0x800, s18  }
0x32: {  	v2 =	vld.idx.msk [tilespmem:v0+s17+$0x10 ss:$0x1], $0xffff;
	[tilespmem:s18+$0x30] =	vst v7  }
0x33: {  	[tilespmem:s18+$0xFFFFFFC0] =	vst v8;
	v6 =	vld.idx.msk [tilespmem:v0+s17+$0x20 ss:$0x1], $0xffff;
	s17 =	sshra.s32 s19, $0x2;
	s19 =	sadd.s32 $0x200, s19  }
0x34: {  	_ =	sdelay $0x2  }
0x35: {  	[tilespmem:s18+$0xFFFFFFD0] =	vst v5  }
0x36: {  	v56 =	vld.idx.msk [tilespmem:v0+s17+$0x30 ss:$0x1], $0xffff;
	[tilespmem:s18+$0xFFFFFFE0] =	vst v4  }
0x37: {  	v57 =	vld.idx.msk [tilespmem:v0+s17+$0xFFFFFFC0 ss:$0x1], $0xffff;
	[tilespmem:s18+$0xFFFFFFF0] =	vst v3  }
0x38: {  	v58 =	vld.idx.msk [tilespmem:v0+s17+$0xFFFFFFD0 ss:$0x1], $0xffff;
	[tilespmem:s18+$0x0] =	vst v1  }
0x39: {  	v59 =	vld.idx.msk [tilespmem:v0+s17+$0xFFFFFFE0 ss:$0x1], $0xffff;
	[tilespmem:s18+$0x10] =	vst v2  }
0x3a: {  	v60 =	vld.idx.msk [tilespmem:v0+s17+$0xFFFFFFF0 ss:$0x1], $0xffff;
	s31 =	sadd.s32 $0x800, s18;
	[tilespmem:s18+$0x20] =	vst v6  }
0x3b: {  	v61 =	vld.idx.msk [tilespmem:v0+s17+$0x0 ss:$0x1], $0xffff;
	[tilespmem:s31+$0x30] =	vst v56  }
0x3c: {  	v62 =	vld.idx.msk [tilespmem:v0+s17+$0x10 ss:$0x1], $0xffff;
	s16 =	sadd.s32 $0x1, s16;
	[tilespmem:s31+$0xFFFFFFC0] =	vst v57  }
0x3d: {  	v63 =	vld.idx.msk [tilespmem:v0+s17+$0x20 ss:$0x1], $0xffff;
	p1 =	sne.s32 s16, $0x10;
	[tilespmem:s31+$0xFFFFFFD0] =	vst v58  }
.Ltmp4:
0x3e: {  	[tilespmem:s31+$0xFFFFFFE0] =	vst v59;
	(pc) =	sbr.rel @p1 .LBB1_3-.Ltmp4, $4  }
0x3f: {  	[tilespmem:s31+$0xFFFFFFF0] =	vst v60  }
0x40: {  	[tilespmem:s31+$0x0] =	vst v61  }
0x41: {  	[tilespmem:s31+$0x10] =	vst v62  }
0x42: {  	s13 =	sadd.s32 $0x80, s13;
	s15 =	sadd.s32 $0x400, s15;
	[tilespmem:s31+$0x20] =	vst v63  }
.Ltmp5:
0x43: {  	(pc) =	sbr.rel .LBB1_7-.Ltmp5, $4  }
0x44: {  	s12 =	sshll.u32 s12, $0xC;
	s11 =	sshll.u32 s11, $0x4  }
0x45: {  	s11 =	sand.u32 $0x1F0, s11;
	s12 =	sadd.s32 s3, s12  }
0x46: {  	s11 =	sadd.s32 s11, s12  }
0x47: {  	[hbm4b:s11+s6] =	stream.strided.scatter [tilespmem:s14], [sflag:$0x2], $0x4000, s7, s6, $0x38;
	[tilespmem:$0x10000] =	vst v63  }
.LBB1_8:
0x48: {  	_ =	sfence.sel $0x180000  }
0x49: {  	s2 =	simm.s32 $0x1;
	[bflag:$0x0] =	sbarrier.arrive $0xFFFF  }
0x4a: {  	s31 =	simm.s32 $0x2;
	[sflag:s2] =	ssyncpa.u1 $0x1  }
0x4b: {  	[sflag:s31] =	ssyncpa.u1 $0x1  }
0x4c: {  	p0 =	sne.s32 s1, $0x0;
	_ =	strace $0x90000047  }
0x4d: {  	s0 =	sadd.s32 @!p0 $0x100000, s0;
	[bflag:$0x2] =	sbarrier.arrive $0xFFFF  }
0x4e: {  	[sflag:s0] =	ssyncadd.tile.s32 @!p0 $0x1;
	_ =	shalt  }
.Lfunc_end1:
_tile_overlayer_lowered:
.L_overlay_start_2:
0x4f: {  	(tag) =	ssettag $0x2  }
0x50: {  	s0 =	rddreg [dreg:$0x0];
	s2 =	stileid.u32  }
0x51: {  	s1 =	rddreg [dreg:$0x1];
	p0 =	sne.s32 s2, $0x0  }
0x52: {  	s3 =	rddreg [dreg:$0x2];
	[bflag:$0x3] =	sbarrier.arrive $0xFFFF;
	s2 =	simm.s32 @!p0 $0x1C01  }
0x53: {  	[timem:s3], [sflag:s2] =	dma.local @!p0 [hbm:s0], s1  }
0x54: {  	s0 =	simm.s32 @!p0 $0x1  }
0x55: {  	_ =	swait.ge @!p0 [sflag:s0], s1  }
0x56: {  	s1 =	ssub.s32 @!p0 $0x0, s1;
	[sflag:s0] =	ssyncset.done @!p0 $0x0  }
0x57: {  	[sflag:s0] =	ssyncadd.s32 @!p0 s1  }
0x58: {  	[bflag:$0x3] =	sbarrier.arrive $0xFFFF  }
0x59: {  	_ =	shalt  }

</sc_bundles>
